<compile_context>
chip_gen: v7x
topology: tpu7x:2x2x1
jax: 0.10.2.dev20260603
libtpu: 0.0.44.dev20260713+nightly
codegen_flags: <defaults>
</compile_context>

<pallas_src>
import functools

import jax
import jax.numpy as jnp
from jax import lax
from jax.experimental import pallas as pl
from jax.experimental.pallas import tpu as pltpu
from jax.experimental.pallas import tpu_sc as plsc

_NUM_CORES = 2
_NUM_SUBCORES = 16
_NUM_WORKERS = _NUM_CORES * _NUM_SUBCORES

_CHUNK = 16
_NBUF = 5


@functools.partial(jax.jit, static_argnames=("b_per_w", "d"))
def _gather_rows(idx, table, *, b_per_w, d):
    b_total = idx.shape[0]
    nchunk = b_per_w // _CHUNK
    mesh = plsc.VectorSubcoreMesh(core_axis_name="c", subcore_axis_name="s")

    @functools.partial(
        pl.kernel,
        out_type=jax.ShapeDtypeStruct((b_total, d), jnp.float32),
        mesh=mesh,
        scratch_types=[
            pltpu.VMEM((b_per_w,), jnp.int32),
            pltpu.VMEM((_NBUF, _CHUNK, d), jnp.float32),
        ]
        + [pltpu.SemaphoreType.DMA] * (2 * _NBUF),
    )
    def body(idx_hbm, table_hbm, out_hbm, idx_v, rows_v, *sems):
        gsems = sems[:_NBUF]
        osems = sems[_NBUF:]
        wid = lax.axis_index("s") * _NUM_CORES + lax.axis_index("c")
        base = wid * b_per_w
        pltpu.sync_copy(idx_hbm.at[pl.ds(base, b_per_w)], idx_v)

        gd = [None] * nchunk
        od = [None] * nchunk

        def start_gather(c):
            buf = c % _NBUF
            gd[c] = pltpu.async_copy(
                table_hbm.at[idx_v.at[pl.ds(c * _CHUNK, _CHUNK)]],
                rows_v.at[buf],
                gsems[buf],
            )

        for c in range(min(_NBUF - 1, nchunk)):
            start_gather(c)
        for c in range(nchunk):
            nxt = c + _NBUF - 1
            if nxt < nchunk:
                if c >= 1:
                    od[c - 1].wait()
                start_gather(nxt)
            gd[c].wait()
            buf = c % _NBUF
            od[c] = pltpu.async_copy(
                rows_v.at[buf],
                out_hbm.at[pl.ds(base + c * _CHUNK, _CHUNK)],
                osems[buf],
            )
        for c in range(max(0, nchunk - _NBUF), nchunk):
            if od[c] is not None:
                od[c].wait()

    return body(idx, table)


def kernel(token_ids, table):
    b_total = token_ids.size
    d = table.shape[1]
    b_per_w = b_total // _NUM_WORKERS
    idx = token_ids.reshape(-1).astype(jnp.int32)
    out = _gather_rows(idx, table, b_per_w=b_per_w, d=d)
    return out.reshape(*token_ids.shape, d)

# --- scband reference (transcript-rebuilt; emitter-appended) ---
"""Pipeline reference for scband-frontend-router-22127671509475 (READ-ONLY COPY).

The authoritative reference and input builder live on the scoring server;
editing this copy changes nothing except your own understanding.
"""

import jax, jax.numpy as jnp
import numpy as np

VOCAB = 57344
EMBED = 1536

def setup_inputs(seed: int = 0) -> dict:
    key = jax.random.key(seed)
    k1, k2 = jax.random.split(key)
    token_ids = jax.random.randint(k1, (4, 2048), 0, VOCAB, dtype=jnp.int64 if jax.config.jax_enable_x64 else jnp.int32).astype(jnp.int32)
    table = jax.random.normal(k2, (VOCAB, EMBED), dtype=jnp.float32)
    return {"token_ids": token_ids, "table": table}

def reference(token_ids, table):
    # FrontendRouter.forward with modality='text': nn.Embedding lookup
    return jnp.take(table, token_ids, axis=0)

if __name__ == "__main__":
    import jax
    _d = setup_inputs()
    print(jax.jit(kernel)(*tuple(_d.values())))

</pallas_src>

<mosaic_0001>
#map = affine_map<(d0, d1) -> (0)>
#map1 = affine_map<(d0, d1) -> (0, 0)>
module attributes {stable_mosaic.version = 14 : i64} {
  func.func @body(%arg0: i32, %arg1: i32, %arg2: memref<8192xi32, #tpu.memory_space<hbm>>, %arg3: memref<57344x1536xf32, #tpu.memory_space<hbm>>, %arg4: memref<8192x1536xf32, #tpu.memory_space<hbm>>, %arg5: memref<256xi32, #tpu.memory_space<vmem>>, %arg6: memref<5x16x1536xf32, #tpu.memory_space<vmem>>, %arg7: memref<!tpu.dma_semaphore, #tpu.memory_space<semaphore_mem>>, %arg8: memref<!tpu.dma_semaphore, #tpu.memory_space<semaphore_mem>>, %arg9: memref<!tpu.dma_semaphore, #tpu.memory_space<semaphore_mem>>, %arg10: memref<!tpu.dma_semaphore, #tpu.memory_space<semaphore_mem>>, %arg11: memref<!tpu.dma_semaphore, #tpu.memory_space<semaphore_mem>>, %arg12: memref<!tpu.dma_semaphore, #tpu.memory_space<semaphore_mem>>, %arg13: memref<!tpu.dma_semaphore, #tpu.memory_space<semaphore_mem>>, %arg14: memref<!tpu.dma_semaphore, #tpu.memory_space<semaphore_mem>>, %arg15: memref<!tpu.dma_semaphore, #tpu.memory_space<semaphore_mem>>, %arg16: memref<!tpu.dma_semaphore, #tpu.memory_space<semaphore_mem>>) attributes {dimension_semantics = [#tpu.dimension_semantics<core_parallel>, #tpu.dimension_semantics<subcore_parallel>], iteration_bounds = array<i64: 2, 16>, scalar_prefetch = 0 : i64, scratch_operands = 12 : i64, tpu.core_type = #tpu.core_type<sc_vector_subcore>, window_params = [{transform_indices = #map}, {transform_indices = #map1}, {transform_indices = #map1}]} {
    %mul3A = arith.constant 2 : i32
    %mul3A_0 = arith.muli %arg1, %mul3A : i32
    %add3A = arith.addi %mul3A_0, %arg0 : i32
    %mul3A_1 = arith.constant 256 : i32
    %mul3A_2 = arith.muli %add3A, %mul3A_1 : i32
    "tpu.region"() ({
      %run_scoped3A = tpu.sem_alloc : memref<!tpu.dma_semaphore, #tpu.memory_space<semaphore_mem>>
      %dma_start3A_769 = tpu.memref_slice %arg2[%mul3A_2] : memref<8192xi32, #tpu.memory_space<hbm>> -> memref<256xi32, #tpu.memory_space<hbm>>
      %dma_start3A_770 = tpu.memref_slice %arg2[%mul3A_2] : memref<8192xi32, #tpu.memory_space<hbm>> -> memref<256xi32, #tpu.memory_space<hbm>>
      tpu.enqueue_dma source(%dma_start3A_770 : memref<256xi32, #tpu.memory_space<hbm>>) target(%arg5 : memref<256xi32, #tpu.memory_space<vmem>>) target_semaphore(%run_scoped3A : memref<!tpu.dma_semaphore, #tpu.memory_space<semaphore_mem>>)
      %dma_wait3A_771 = tpu.memref_slice %arg2[%mul3A_2] : memref<8192xi32, #tpu.memory_space<hbm>> -> memref<256xi32, #tpu.memory_space<hbm>>
      %dma_wait3A_772 = tpu.memref_slice %arg2[%mul3A_2] : memref<8192xi32, #tpu.memory_space<hbm>> -> memref<256xi32, #tpu.memory_space<hbm>>
      tpu.wait_dma2 semaphore(%run_scoped3A : memref<!tpu.dma_semaphore, #tpu.memory_space<semaphore_mem>>) src(%dma_wait3A_772 : memref<256xi32, #tpu.memory_space<hbm>>) dst(%arg5 : memref<256xi32, #tpu.memory_space<vmem>>)
      tpu.yield
    }) : () -> ()
    %dma_start3A = arith.constant 0 : i32
    %dma_start3A_3 = arith.constant 0 : i32
    %dma_start3A_4 = arith.constant 0 : i32
    %dma_start3A_5 = tpu.memref_slice %arg6[%dma_start3A, %dma_start3A_3, %dma_start3A_4] : memref<5x16x1536xf32, #tpu.memory_space<vmem>> -> memref<1x16x1536xf32, #tpu.memory_space<vmem>>
    %dma_start3A_6 = tpu.memref_squeeze %dma_start3A_5 : memref<1x16x1536xf32, #tpu.memory_space<vmem>> -> memref<16x1536xf32, #tpu.memory_space<vmem>>
    %dma_start3A_7 = arith.constant 0 : i32
    %dma_start3A_8 = tpu.memref_slice %arg5[%dma_start3A_7] : memref<256xi32, #tpu.memory_space<vmem>> -> memref<16xi32, #tpu.memory_space<vmem>>
    %dma_start3A_9 = arith.constant 0 : i32
    %dma_start3A_10 = arith.constant 0 : i32
    %dma_start3A_11 = tpu.memref_slice %arg3[%dma_start3A_9, %dma_start3A_10] : memref<57344x1536xf32, #tpu.memory_space<hbm>> -> memref<57344x1536xf32, #tpu.memory_space<hbm>>
    tpu.enqueue_indirect_dma source(%dma_start3A_11 : memref<57344x1536xf32, #tpu.memory_space<hbm>>) target(%dma_start3A_6 : memref<16x1536xf32, #tpu.memory_space<vmem>>) offsets(%dma_start3A_8 : memref<16xi32, #tpu.memory_space<vmem>>) semaphore(%arg7 : memref<!tpu.dma_semaphore, #tpu.memory_space<semaphore_mem>>)
    %dma_start3A_12 = arith.constant 1 : i32
    %dma_start3A_13 = arith.constant 0 : i32
    %dma_start3A_14 = arith.constant 0 : i32
    %dma_start3A_15 = tpu.memref_slice %arg6[%dma_start3A_12, %dma_start3A_13, %dma_start3A_14] : memref<5x16x1536xf32, #tpu.memory_space<vmem>> -> memref<1x16x1536xf32, #tpu.memory_space<vmem>>
    %dma_start3A_16 = tpu.memref_squeeze %dma_start3A_15 : memref<1x16x1536xf32, #tpu.memory_space<vmem>> -> memref<16x1536xf32, #tpu.memory_space<vmem>>
    %dma_start3A_17 = arith.constant 16 : i32
    %dma_start3A_18 = tpu.memref_slice %arg5[%dma_start3A_17] : memref<256xi32, #tpu.memory_space<vmem>> -> memref<16xi32, #tpu.memory_space<vmem>>
    %dma_start3A_19 = arith.constant 0 : i32
    %dma_start3A_20 = arith.constant 0 : i32
    %dma_start3A_21 = tpu.memref_slice %arg3[%dma_start3A_19, %dma_start3A_20] : memref<57344x1536xf32, #tpu.memory_space<hbm>> -> memref<57344x1536xf32, #tpu.memory_space<hbm>>
    tpu.enqueue_indirect_dma source(%dma_start3A_21 : memref<57344x1536xf32, #tpu.memory_space<hbm>>) target(%dma_start3A_16 : memref<16x1536xf32, #tpu.memory_space<vmem>>) offsets(%dma_start3A_18 : memref<16xi32, #tpu.memory_space<vmem>>) semaphore(%arg8 : memref<!tpu.dma_semaphore, #tpu.memory_space<semaphore_mem>>)
    %dma_start3A_22 = arith.constant 2 : i32
    %dma_start3A_23 = arith.constant 0 : i32
    %dma_start3A_24 = arith.constant 0 : i32
    %dma_start3A_25 = tpu.memref_slice %arg6[%dma_start3A_22, %dma_start3A_23, %dma_start3A_24] : memref<5x16x1536xf32, #tpu.memory_space<vmem>> -> memref<1x16x1536xf32, #tpu.memory_space<vmem>>
    %dma_start3A_26 = tpu.memref_squeeze %dma_start3A_25 : memref<1x16x1536xf32, #tpu.memory_space<vmem>> -> memref<16x1536xf32, #tpu.memory_space<vmem>>
    %dma_start3A_27 = arith.constant 32 : i32
    %dma_start3A_28 = tpu.memref_slice %arg5[%dma_start3A_27] : memref<256xi32, #tpu.memory_space<vmem>> -> memref<16xi32, #tpu.memory_space<vmem>>
    %dma_start3A_29 = arith.constant 0 : i32
    %dma_start3A_30 = arith.constant 0 : i32
    %dma_start3A_31 = tpu.memref_slice %arg3[%dma_start3A_29, %dma_start3A_30] : memref<57344x1536xf32, #tpu.memory_space<hbm>> -> memref<57344x1536xf32, #tpu.memory_space<hbm>>
    tpu.enqueue_indirect_dma source(%dma_start3A_31 : memref<57344x1536xf32, #tpu.memory_space<hbm>>) target(%dma_start3A_26 : memref<16x1536xf32, #tpu.memory_space<vmem>>) offsets(%dma_start3A_28 : memref<16xi32, #tpu.memory_space<vmem>>) semaphore(%arg9 : memref<!tpu.dma_semaphore, #tpu.memory_space<semaphore_mem>>)
    %dma_start3A_32 = arith.constant 3 : i32
    %dma_start3A_33 = arith.constant 0 : i32
    %dma_start3A_34 = arith.constant 0 : i32
    %dma_start3A_35 = tpu.memref_slice %arg6[%dma_start3A_32, %dma_start3A_33, %dma_start3A_34] : memref<5x16x1536xf32, #tpu.memory_space<vmem>> -> memref<1x16x1536xf32, #tpu.memory_space<vmem>>
    %dma_start3A_36 = tpu.memref_squeeze %dma_start3A_35 : memref<1x16x1536xf32, #tpu.memory_space<vmem>> -> memref<16x1536xf32, #tpu.memory_space<vmem>>
    %dma_start3A_37 = arith.constant 48 : i32
    %dma_start3A_38 = tpu.memref_slice %arg5[%dma_start3A_37] : memref<256xi32, #tpu.memory_space<vmem>> -> memref<16xi32, #tpu.memory_space<vmem>>
    %dma_start3A_39 = arith.constant 0 : i32
    %dma_start3A_40 = arith.constant 0 : i32
    %dma_start3A_41 = tpu.memref_slice %arg3[%dma_start3A_39, %dma_start3A_40] : memref<57344x1536xf32, #tpu.memory_space<hbm>> -> memref<57344x1536xf32, #tpu.memory_space<hbm>>
    tpu.enqueue_indirect_dma source(%dma_start3A_41 : memref<57344x1536xf32, #tpu.memory_space<hbm>>) target(%dma_start3A_36 : memref<16x1536xf32, #tpu.memory_space<vmem>>) offsets(%dma_start3A_38 : memref<16xi32, #tpu.memory_space<vmem>>) semaphore(%arg10 : memref<!tpu.dma_semaphore, #tpu.memory_space<semaphore_mem>>)
    %dma_start3A_42 = arith.constant 4 : i32
    %dma_start3A_43 = arith.constant 0 : i32
    %dma_start3A_44 = arith.constant 0 : i32
    %dma_start3A_45 = tpu.memref_slice %arg6[%dma_start3A_42, %dma_start3A_43, %dma_start3A_44] : memref<5x16x1536xf32, #tpu.memory_space<vmem>> -> memref<1x16x1536xf32, #tpu.memory_space<vmem>>
    %dma_start3A_46 = tpu.memref_squeeze %dma_start3A_45 : memref<1x16x1536xf32, #tpu.memory_space<vmem>> -> memref<16x1536xf32, #tpu.memory_space<vmem>>
    %dma_start3A_47 = arith.constant 64 : i32
    %dma_start3A_48 = tpu.memref_slice %arg5[%dma_start3A_47] : memref<256xi32, #tpu.memory_space<vmem>> -> memref<16xi32, #tpu.memory_space<vmem>>
    %dma_start3A_49 = arith.constant 0 : i32
    %dma_start3A_50 = arith.constant 0 : i32
    %dma_start3A_51 = tpu.memref_slice %arg3[%dma_start3A_49, %dma_start3A_50] : memref<57344x1536xf32, #tpu.memory_space<hbm>> -> memref<57344x1536xf32, #tpu.memory_space<hbm>>
    tpu.enqueue_indirect_dma source(%dma_start3A_51 : memref<57344x1536xf32, #tpu.memory_space<hbm>>) target(%dma_start3A_46 : memref<16x1536xf32, #tpu.memory_space<vmem>>) offsets(%dma_start3A_48 : memref<16xi32, #tpu.memory_space<vmem>>) semaphore(%arg11 : memref<!tpu.dma_semaphore, #tpu.memory_space<semaphore_mem>>)
    %dma_wait3A = arith.constant 0 : i32
    %dma_wait3A_52 = arith.constant 0 : i32
    %dma_wait3A_53 = arith.constant 0 : i32
    %dma_wait3A_54 = tpu.memref_slice %arg6[%dma_wait3A, %dma_wait3A_52, %dma_wait3A_53] : memref<5x16x1536xf32, #tpu.memory_space<vmem>> -> memref<1x16x1536xf32, #tpu.memory_space<vmem>>
    %dma_wait3A_55 = tpu.memref_squeeze %dma_wait3A_54 : memref<1x16x1536xf32, #tpu.memory_space<vmem>> -> memref<16x1536xf32, #tpu.memory_space<vmem>>
    %dma_wait3A_56 = arith.constant 0 : i32
    %dma_wait3A_57 = tpu.memref_slice %arg5[%dma_wait3A_56] : memref<256xi32, #tpu.memory_space<vmem>> -> memref<16xi32, #tpu.memory_space<vmem>>
    %dma_wait3A_58 = arith.constant 0 : i32
    %dma_wait3A_59 = arith.constant 0 : i32
    %dma_wait3A_60 = tpu.memref_slice %arg3[%dma_wait3A_58, %dma_wait3A_59] : memref<57344x1536xf32, #tpu.memory_space<hbm>> -> memref<57344x1536xf32, #tpu.memory_space<hbm>>
    tpu.wait_indirect_dma semaphore(%arg7 : memref<!tpu.dma_semaphore, #tpu.memory_space<semaphore_mem>>) src(%dma_wait3A_60 : memref<57344x1536xf32, #tpu.memory_space<hbm>>) dst(%dma_wait3A_55 : memref<16x1536xf32, #tpu.memory_space<vmem>>)
    %add3A_61 = arith.constant 0 : i32
    %add3A_62 = arith.addi %mul3A_2, %add3A_61 : i32
    %dma_start3A_63 = arith.constant 0 : i32
    %dma_start3A_64 = arith.constant 0 : i32
    %dma_start3A_65 = arith.constant 0 : i32
    %dma_start3A_66 = tpu.memref_slice %arg6[%dma_start3A_63, %dma_start3A_64, %dma_start3A_65] : memref<5x16x1536xf32, #tpu.memory_space<vmem>> -> memref<1x16x1536xf32, #tpu.memory_space<vmem>>
    %dma_start3A_67 = tpu.memref_squeeze %dma_start3A_66 : memref<1x16x1536xf32, #tpu.memory_space<vmem>> -> memref<16x1536xf32, #tpu.memory_space<vmem>>
    %dma_start3A_68 = arith.constant 0 : i32
    %dma_start3A_69 = tpu.memref_slice %arg4[%add3A_62, %dma_start3A_68] : memref<8192x1536xf32, #tpu.memory_space<hbm>> -> memref<16x1536xf32, #tpu.memory_space<hbm>>
    %dma_start3A_70 = arith.constant 0 : i32
    %dma_start3A_71 = tpu.memref_slice %arg4[%add3A_62, %dma_start3A_70] : memref<8192x1536xf32, #tpu.memory_space<hbm>> -> memref<16x1536xf32, #tpu.memory_space<hbm>>
    %dma_start3A_72 = arith.constant 0 : i32
    %dma_start3A_73 = arith.constant 0 : i32
    %dma_start3A_74 = tpu.memref_slice %arg6[%dma_start3A_63, %dma_start3A_72, %dma_start3A_73] : memref<5x16x1536xf32, #tpu.memory_space<vmem>> -> memref<1x16x1536xf32, #tpu.memory_space<vmem>>
    %dma_start3A_75 = tpu.memref_squeeze %dma_start3A_74 : memref<1x16x1536xf32, #tpu.memory_space<vmem>> -> memref<16x1536xf32, #tpu.memory_space<vmem>>
    tpu.enqueue_dma source(%dma_start3A_75 : memref<16x1536xf32, #tpu.memory_space<vmem>>) target(%dma_start3A_71 : memref<16x1536xf32, #tpu.memory_space<hbm>>) target_semaphore(%arg12 : memref<!tpu.dma_semaphore, #tpu.memory_space<semaphore_mem>>)
    %dma_wait3A_76 = arith.constant 0 : i32
    %dma_wait3A_77 = arith.constant 0 : i32
    %dma_wait3A_78 = arith.constant 0 : i32
    %dma_wait3A_79 = tpu.memref_slice %arg6[%dma_wait3A_76, %dma_wait3A_77, %dma_wait3A_78] : memref<5x16x1536xf32, #tpu.memory_space<vmem>> -> memref<1x16x1536xf32, #tpu.memory_space<vmem>>
    %dma_wait3A_80 = tpu.memref_squeeze %dma_wait3A_79 : memref<1x16x1536xf32, #tpu.memory_space<vmem>> -> memref<16x1536xf32, #tpu.memory_space<vmem>>
    %dma_wait3A_81 = arith.constant 0 : i32
    %dma_wait3A_82 = tpu.memref_slice %arg4[%add3A_62, %dma_wait3A_81] : memref<8192x1536xf32, #tpu.memory_space<hbm>> -> memref<16x1536xf32, #tpu.memory_space<hbm>>
    %dma_wait3A_83 = arith.constant 0 : i32
    %dma_wait3A_84 = tpu.memref_slice %arg4[%add3A_62, %dma_wait3A_83] : memref<8192x1536xf32, #tpu.memory_space<hbm>> -> memref<16x1536xf32, #tpu.memory_space<hbm>>
    %dma_wait3A_85 = arith.constant 0 : i32
    %dma_wait3A_86 = arith.constant 0 : i32
    %dma_wait3A_87 = tpu.memref_slice %arg6[%dma_wait3A_76, %dma_wait3A_85, %dma_wait3A_86] : memref<5x16x1536xf32, #tpu.memory_space<vmem>> -> memref<1x16x1536xf32, #tpu.memory_space<vmem>>
    %dma_wait3A_88 = tpu.memref_squeeze %dma_wait3A_87 : memref<1x16x1536xf32, #tpu.memory_space<vmem>> -> memref<16x1536xf32, #tpu.memory_space<vmem>>
    tpu.wait_dma2 semaphore(%arg12 : memref<!tpu.dma_semaphore, #tpu.memory_space<semaphore_mem>>) src(%dma_wait3A_88 : memref<16x1536xf32, #tpu.memory_space<vmem>>) dst(%dma_wait3A_84 : memref<16x1536xf32, #tpu.memory_space<hbm>>)
    %dma_start3A_89 = arith.constant 0 : i32
    %dma_start3A_90 = arith.constant 0 : i32
    %dma_start3A_91 = arith.constant 0 : i32
    %dma_start3A_92 = tpu.memref_slice %arg6[%dma_start3A_89, %dma_start3A_90, %dma_start3A_91] : memref<5x16x1536xf32, #tpu.memory_space<vmem>> -> memref<1x16x1536xf32, #tpu.memory_space<vmem>>
    %dma_start3A_93 = tpu.memref_squeeze %dma_start3A_92 : memref<1x16x1536xf32, #tpu.memory_space<vmem>> -> memref<16x1536xf32, #tpu.memory_space<vmem>>
    %dma_start3A_94 = arith.constant 80 : i32
    %dma_start3A_95 = tpu.memref_slice %arg5[%dma_start3A_94] : memref<256xi32, #tpu.memory_space<vmem>> -> memref<16xi32, #tpu.memory_space<vmem>>
    %dma_start3A_96 = arith.constant 0 : i32
    %dma_start3A_97 = arith.constant 0 : i32
    %dma_start3A_98 = tpu.memref_slice %arg3[%dma_start3A_96, %dma_start3A_97] : memref<57344x1536xf32, #tpu.memory_space<hbm>> -> memref<57344x1536xf32, #tpu.memory_space<hbm>>
    tpu.enqueue_indirect_dma source(%dma_start3A_98 : memref<57344x1536xf32, #tpu.memory_space<hbm>>) target(%dma_start3A_93 : memref<16x1536xf32, #tpu.memory_space<vmem>>) offsets(%dma_start3A_95 : memref<16xi32, #tpu.memory_space<vmem>>) semaphore(%arg7 : memref<!tpu.dma_semaphore, #tpu.memory_space<semaphore_mem>>)
    %dma_wait3A_99 = arith.constant 1 : i32
    %dma_wait3A_100 = arith.constant 0 : i32
    %dma_wait3A_101 = arith.constant 0 : i32
    %dma_wait3A_102 = tpu.memref_slice %arg6[%dma_wait3A_99, %dma_wait3A_100, %dma_wait3A_101] : memref<5x16x1536xf32, #tpu.memory_space<vmem>> -> memref<1x16x1536xf32, #tpu.memory_space<vmem>>
    %dma_wait3A_103 = tpu.memref_squeeze %dma_wait3A_102 : memref<1x16x1536xf32, #tpu.memory_space<vmem>> -> memref<16x1536xf32, #tpu.memory_space<vmem>>
    %dma_wait3A_104 = arith.constant 16 : i32
    %dma_wait3A_105 = tpu.memref_slice %arg5[%dma_wait3A_104] : memref<256xi32, #tpu.memory_space<vmem>> -> memref<16xi32, #tpu.memory_space<vmem>>
    %dma_wait3A_106 = arith.constant 0 : i32
    %dma_wait3A_107 = arith.constant 0 : i32
    %dma_wait3A_108 = tpu.memref_slice %arg3[%dma_wait3A_106, %dma_wait3A_107] : memref<57344x1536xf32, #tpu.memory_space<hbm>> -> memref<57344x1536xf32, #tpu.memory_space<hbm>>
    tpu.wait_indirect_dma semaphore(%arg8 : memref<!tpu.dma_semaphore, #tpu.memory_space<semaphore_mem>>) src(%dma_wait3A_108 : memref<57344x1536xf32, #tpu.memory_space<hbm>>) dst(%dma_wait3A_103 : memref<16x1536xf32, #tpu.memory_space<vmem>>)
    %add3A_109 = arith.constant 16 : i32
    %add3A_110 = arith.addi %mul3A_2, %add3A_109 : i32
    %dma_start3A_111 = arith.constant 1 : i32
    %dma_start3A_112 = arith.constant 0 : i32
    %dma_start3A_113 = arith.constant 0 : i32
    %dma_start3A_114 = tpu.memref_slice %arg6[%dma_start3A_111, %dma_start3A_112, %dma_start3A_113] : memref<5x16x1536xf32, #tpu.memory_space<vmem>> -> memref<1x16x1536xf32, #tpu.memory_space<vmem>>
    %dma_start3A_115 = tpu.memref_squeeze %dma_start3A_114 : memref<1x16x1536xf32, #tpu.memory_space<vmem>> -> memref<16x1536xf32, #tpu.memory_space<vmem>>
    %dma_start3A_116 = arith.constant 0 : i32
    %dma_start3A_117 = tpu.memref_slice %arg4[%add3A_110, %dma_start3A_116] : memref<8192x1536xf32, #tpu.memory_space<hbm>> -> memref<16x1536xf32, #tpu.memory_space<hbm>>
    %dma_start3A_118 = arith.constant 0 : i32
    %dma_start3A_119 = tpu.memref_slice %arg4[%add3A_110, %dma_start3A_118] : memref<8192x1536xf32, #tpu.memory_space<hbm>> -> memref<16x1536xf32, #tpu.memory_space<hbm>>
    %dma_start3A_120 = arith.constant 0 : i32
    %dma_start3A_121 = arith.constant 0 : i32
    %dma_start3A_122 = tpu.memref_slice %arg6[%dma_start3A_111, %dma_start3A_120, %dma_start3A_121] : memref<5x16x1536xf32, #tpu.memory_space<vmem>> -> memref<1x16x1536xf32, #tpu.memory_space<vmem>>
    %dma_start3A_123 = tpu.memref_squeeze %dma_start3A_122 : memref<1x16x1536xf32, #tpu.memory_space<vmem>> -> memref<16x1536xf32, #tpu.memory_space<vmem>>
    tpu.enqueue_dma source(%dma_start3A_123 : memref<16x1536xf32, #tpu.memory_space<vmem>>) target(%dma_start3A_119 : memref<16x1536xf32, #tpu.memory_space<hbm>>) target_semaphore(%arg13 : memref<!tpu.dma_semaphore, #tpu.memory_space<semaphore_mem>>)
    %dma_wait3A_124 = arith.constant 1 : i32
    %dma_wait3A_125 = arith.constant 0 : i32
    %dma_wait3A_126 = arith.constant 0 : i32
    %dma_wait3A_127 = tpu.memref_slice %arg6[%dma_wait3A_124, %dma_wait3A_125, %dma_wait3A_126] : memref<5x16x1536xf32, #tpu.memory_space<vmem>> -> memref<1x16x1536xf32, #tpu.memory_space<vmem>>
    %dma_wait3A_128 = tpu.memref_squeeze %dma_wait3A_127 : memref<1x16x1536xf32, #tpu.memory_space<vmem>> -> memref<16x1536xf32, #tpu.memory_space<vmem>>
    %dma_wait3A_129 = arith.constant 0 : i32
    %dma_wait3A_130 = tpu.memref_slice %arg4[%add3A_110, %dma_wait3A_129] : memref<8192x1536xf32, #tpu.memory_space<hbm>> -> memref<16x1536xf32, #tpu.memory_space<hbm>>
    %dma_wait3A_131 = arith.constant 0 : i32
    %dma_wait3A_132 = tpu.memref_slice %arg4[%add3A_110, %dma_wait3A_131] : memref<8192x1536xf32, #tpu.memory_space<hbm>> -> memref<16x1536xf32, #tpu.memory_space<hbm>>
    %dma_wait3A_133 = arith.constant 0 : i32
    %dma_wait3A_134 = arith.constant 0 : i32
    %dma_wait3A_135 = tpu.memref_slice %arg6[%dma_wait3A_124, %dma_wait3A_133, %dma_wait3A_134] : memref<5x16x1536xf32, #tpu.memory_space<vmem>> -> memref<1x16x1536xf32, #tpu.memory_space<vmem>>
    %dma_wait3A_136 = tpu.memref_squeeze %dma_wait3A_135 : memref<1x16x1536xf32, #tpu.memory_space<vmem>> -> memref<16x1536xf32, #tpu.memory_space<vmem>>
    tpu.wait_dma2 semaphore(%arg13 : memref<!tpu.dma_semaphore, #tpu.memory_space<semaphore_mem>>) src(%dma_wait3A_136 : memref<16x1536xf32, #tpu.memory_space<vmem>>) dst(%dma_wait3A_132 : memref<16x1536xf32, #tpu.memory_space<hbm>>)
    %dma_start3A_137 = arith.constant 1 : i32
    %dma_start3A_138 = arith.constant 0 : i32
    %dma_start3A_139 = arith.constant 0 : i32
    %dma_start3A_140 = tpu.memref_slice %arg6[%dma_start3A_137, %dma_start3A_138, %dma_start3A_139] : memref<5x16x1536xf32, #tpu.memory_space<vmem>> -> memref<1x16x1536xf32, #tpu.memory_space<vmem>>
    %dma_start3A_141 = tpu.memref_squeeze %dma_start3A_140 : memref<1x16x1536xf32, #tpu.memory_space<vmem>> -> memref<16x1536xf32, #tpu.memory_space<vmem>>
    %dma_start3A_142 = arith.constant 96 : i32
    %dma_start3A_143 = tpu.memref_slice %arg5[%dma_start3A_142] : memref<256xi32, #tpu.memory_space<vmem>> -> memref<16xi32, #tpu.memory_space<vmem>>
    %dma_start3A_144 = arith.constant 0 : i32
    %dma_start3A_145 = arith.constant 0 : i32
    %dma_start3A_146 = tpu.memref_slice %arg3[%dma_start3A_144, %dma_start3A_145] : memref<57344x1536xf32, #tpu.memory_space<hbm>> -> memref<57344x1536xf32, #tpu.memory_space<hbm>>
    tpu.enqueue_indirect_dma source(%dma_start3A_146 : memref<57344x1536xf32, #tpu.memory_space<hbm>>) target(%dma_start3A_141 : memref<16x1536xf32, #tpu.memory_space<vmem>>) offsets(%dma_start3A_143 : memref<16xi32, #tpu.memory_space<vmem>>) semaphore(%arg8 : memref<!tpu.dma_semaphore, #tpu.memory_space<semaphore_mem>>)
    %dma_wait3A_147 = arith.constant 2 : i32
    %dma_wait3A_148 = arith.constant 0 : i32
    %dma_wait3A_149 = arith.constant 0 : i32
    %dma_wait3A_150 = tpu.memref_slice %arg6[%dma_wait3A_147, %dma_wait3A_148, %dma_wait3A_149] : memref<5x16x1536xf32, #tpu.memory_space<vmem>> -> memref<1x16x1536xf32, #tpu.memory_space<vmem>>
    %dma_wait3A_151 = tpu.memref_squeeze %dma_wait3A_150 : memref<1x16x1536xf32, #tpu.memory_space<vmem>> -> memref<16x1536xf32, #tpu.memory_space<vmem>>
    %dma_wait3A_152 = arith.constant 32 : i32
    %dma_wait3A_153 = tpu.memref_slice %arg5[%dma_wait3A_152] : memref<256xi32, #tpu.memory_space<vmem>> -> memref<16xi32, #tpu.memory_space<vmem>>
    %dma_wait3A_154 = arith.constant 0 : i32
    %dma_wait3A_155 = arith.constant 0 : i32
    %dma_wait3A_156 = tpu.memref_slice %arg3[%dma_wait3A_154, %dma_wait3A_155] : memref<57344x1536xf32, #tpu.memory_space<hbm>> -> memref<57344x1536xf32, #tpu.memory_space<hbm>>
    tpu.wait_indirect_dma semaphore(%arg9 : memref<!tpu.dma_semaphore, #tpu.memory_space<semaphore_mem>>) src(%dma_wait3A_156 : memref<57344x1536xf32, #tpu.memory_space<hbm>>) dst(%dma_wait3A_151 : memref<16x1536xf32, #tpu.memory_space<vmem>>)
    %add3A_157 = arith.constant 32 : i32
    %add3A_158 = arith.addi %mul3A_2, %add3A_157 : i32
    %dma_start3A_159 = arith.constant 2 : i32
    %dma_start3A_160 = arith.constant 0 : i32
    %dma_start3A_161 = arith.constant 0 : i32
    %dma_start3A_162 = tpu.memref_slice %arg6[%dma_start3A_159, %dma_start3A_160, %dma_start3A_161] : memref<5x16x1536xf32, #tpu.memory_space<vmem>> -> memref<1x16x1536xf32, #tpu.memory_space<vmem>>
    %dma_start3A_163 = tpu.memref_squeeze %dma_start3A_162 : memref<1x16x1536xf32, #tpu.memory_space<vmem>> -> memref<16x1536xf32, #tpu.memory_space<vmem>>
    %dma_start3A_164 = arith.constant 0 : i32
    %dma_start3A_165 = tpu.memref_slice %arg4[%add3A_158, %dma_start3A_164] : memref<8192x1536xf32, #tpu.memory_space<hbm>> -> memref<16x1536xf32, #tpu.memory_space<hbm>>
    %dma_start3A_166 = arith.constant 0 : i32
    %dma_start3A_167 = tpu.memref_slice %arg4[%add3A_158, %dma_start3A_166] : memref<8192x1536xf32, #tpu.memory_space<hbm>> -> memref<16x1536xf32, #tpu.memory_space<hbm>>
    %dma_start3A_168 = arith.constant 0 : i32
    %dma_start3A_169 = arith.constant 0 : i32
    %dma_start3A_170 = tpu.memref_slice %arg6[%dma_start3A_159, %dma_start3A_168, %dma_start3A_169] : memref<5x16x1536xf32, #tpu.memory_space<vmem>> -> memref<1x16x1536xf32, #tpu.memory_space<vmem>>
    %dma_start3A_171 = tpu.memref_squeeze %dma_start3A_170 : memref<1x16x1536xf32, #tpu.memory_space<vmem>> -> memref<16x1536xf32, #tpu.memory_space<vmem>>
    tpu.enqueue_dma source(%dma_start3A_171 : memref<16x1536xf32, #tpu.memory_space<vmem>>) target(%dma_start3A_167 : memref<16x1536xf32, #tpu.memory_space<hbm>>) target_semaphore(%arg14 : memref<!tpu.dma_semaphore, #tpu.memory_space<semaphore_mem>>)
    %dma_wait3A_172 = arith.constant 2 : i32
    %dma_wait3A_173 = arith.constant 0 : i32
    %dma_wait3A_174 = arith.constant 0 : i32
    %dma_wait3A_175 = tpu.memref_slice %arg6[%dma_wait3A_172, %dma_wait3A_173, %dma_wait3A_174] : memref<5x16x1536xf32, #tpu.memory_space<vmem>> -> memref<1x16x1536xf32, #tpu.memory_space<vmem>>
    %dma_wait3A_176 = tpu.memref_squeeze %dma_wait3A_175 : memref<1x16x1536xf32, #tpu.memory_space<vmem>> -> memref<16x1536xf32, #tpu.memory_space<vmem>>
    %dma_wait3A_177 = arith.constant 0 : i32
    %dma_wait3A_178 = tpu.memref_slice %arg4[%add3A_158, %dma_wait3A_177] : memref<8192x1536xf32, #tpu.memory_space<hbm>> -> memref<16x1536xf32, #tpu.memory_space<hbm>>
    %dma_wait3A_179 = arith.constant 0 : i32
    %dma_wait3A_180 = tpu.memref_slice %arg4[%add3A_158, %dma_wait3A_179] : memref<8192x1536xf32, #tpu.memory_space<hbm>> -> memref<16x1536xf32, #tpu.memory_space<hbm>>
    %dma_wait3A_181 = arith.constant 0 : i32
    %dma_wait3A_182 = arith.constant 0 : i32
    %dma_wait3A_183 = tpu.memref_slice %arg6[%dma_wait3A_172, %dma_wait3A_181, %dma_wait3A_182] : memref<5x16x1536xf32, #tpu.memory_space<vmem>> -> memref<1x16x1536xf32, #tpu.memory_space<vmem>>
    %dma_wait3A_184 = tpu.memref_squeeze %dma_wait3A_183 : memref<1x16x1536xf32, #tpu.memory_space<vmem>> -> memref<16x1536xf32, #tpu.memory_space<vmem>>
    tpu.wait_dma2 semaphore(%arg14 : memref<!tpu.dma_semaphore, #tpu.memory_space<semaphore_mem>>) src(%dma_wait3A_184 : memref<16x1536xf32, #tpu.memory_space<vmem>>) dst(%dma_wait3A_180 : memref<16x1536xf32, #tpu.memory_space<hbm>>)
    %dma_start3A_185 = arith.constant 2 : i32
    %dma_start3A_186 = arith.constant 0 : i32
    %dma_start3A_187 = arith.constant 0 : i32
    %dma_start3A_188 = tpu.memref_slice %arg6[%dma_start3A_185, %dma_start3A_186, %dma_start3A_187] : memref<5x16x1536xf32, #tpu.memory_space<vmem>> -> memref<1x16x1536xf32, #tpu.memory_space<vmem>>
    %dma_start3A_189 = tpu.memref_squeeze %dma_start3A_188 : memref<1x16x1536xf32, #tpu.memory_space<vmem>> -> memref<16x1536xf32, #tpu.memory_space<vmem>>
    %dma_start3A_190 = arith.constant 112 : i32
    %dma_start3A_191 = tpu.memref_slice %arg5[%dma_start3A_190] : memref<256xi32, #tpu.memory_space<vmem>> -> memref<16xi32, #tpu.memory_space<vmem>>
    %dma_start3A_192 = arith.constant 0 : i32
    %dma_start3A_193 = arith.constant 0 : i32
    %dma_start3A_194 = tpu.memref_slice %arg3[%dma_start3A_192, %dma_start3A_193] : memref<57344x1536xf32, #tpu.memory_space<hbm>> -> memref<57344x1536xf32, #tpu.memory_space<hbm>>
    tpu.enqueue_indirect_dma source(%dma_start3A_194 : memref<57344x1536xf32, #tpu.memory_space<hbm>>) target(%dma_start3A_189 : memref<16x1536xf32, #tpu.memory_space<vmem>>) offsets(%dma_start3A_191 : memref<16xi32, #tpu.memory_space<vmem>>) semaphore(%arg9 : memref<!tpu.dma_semaphore, #tpu.memory_space<semaphore_mem>>)
    %dma_wait3A_195 = arith.constant 3 : i32
    %dma_wait3A_196 = arith.constant 0 : i32
    %dma_wait3A_197 = arith.constant 0 : i32
    %dma_wait3A_198 = tpu.memref_slice %arg6[%dma_wait3A_195, %dma_wait3A_196, %dma_wait3A_197] : memref<5x16x1536xf32, #tpu.memory_space<vmem>> -> memref<1x16x1536xf32, #tpu.memory_space<vmem>>
    %dma_wait3A_199 = tpu.memref_squeeze %dma_wait3A_198 : memref<1x16x1536xf32, #tpu.memory_space<vmem>> -> memref<16x1536xf32, #tpu.memory_space<vmem>>
    %dma_wait3A_200 = arith.constant 48 : i32
    %dma_wait3A_201 = tpu.memref_slice %arg5[%dma_wait3A_200] : memref<256xi32, #tpu.memory_space<vmem>> -> memref<16xi32, #tpu.memory_space<vmem>>
    %dma_wait3A_202 = arith.constant 0 : i32
    %dma_wait3A_203 = arith.constant 0 : i32
    %dma_wait3A_204 = tpu.memref_slice %arg3[%dma_wait3A_202, %dma_wait3A_203] : memref<57344x1536xf32, #tpu.memory_space<hbm>> -> memref<57344x1536xf32, #tpu.memory_space<hbm>>
    tpu.wait_indirect_dma semaphore(%arg10 : memref<!tpu.dma_semaphore, #tpu.memory_space<semaphore_mem>>) src(%dma_wait3A_204 : memref<57344x1536xf32, #tpu.memory_space<hbm>>) dst(%dma_wait3A_199 : memref<16x1536xf32, #tpu.memory_space<vmem>>)
    %add3A_205 = arith.constant 48 : i32
    %add3A_206 = arith.addi %mul3A_2, %add3A_205 : i32
    %dma_start3A_207 = arith.constant 3 : i32
    %dma_start3A_208 = arith.constant 0 : i32
    %dma_start3A_209 = arith.constant 0 : i32
    %dma_start3A_210 = tpu.memref_slice %arg6[%dma_start3A_207, %dma_start3A_208, %dma_start3A_209] : memref<5x16x1536xf32, #tpu.memory_space<vmem>> -> memref<1x16x1536xf32, #tpu.memory_space<vmem>>
    %dma_start3A_211 = tpu.memref_squeeze %dma_start3A_210 : memref<1x16x1536xf32, #tpu.memory_space<vmem>> -> memref<16x1536xf32, #tpu.memory_space<vmem>>
    %dma_start3A_212 = arith.constant 0 : i32
    %dma_start3A_213 = tpu.memref_slice %arg4[%add3A_206, %dma_start3A_212] : memref<8192x1536xf32, #tpu.memory_space<hbm>> -> memref<16x1536xf32, #tpu.memory_space<hbm>>
    %dma_start3A_214 = arith.constant 0 : i32
    %dma_start3A_215 = tpu.memref_slice %arg4[%add3A_206, %dma_start3A_214] : memref<8192x1536xf32, #tpu.memory_space<hbm>> -> memref<16x1536xf32, #tpu.memory_space<hbm>>
    %dma_start3A_216 = arith.constant 0 : i32
    %dma_start3A_217 = arith.constant 0 : i32
    %dma_start3A_218 = tpu.memref_slice %arg6[%dma_start3A_207, %dma_start3A_216, %dma_start3A_217] : memref<5x16x1536xf32, #tpu.memory_space<vmem>> -> memref<1x16x1536xf32, #tpu.memory_space<vmem>>
    %dma_start3A_219 = tpu.memref_squeeze %dma_start3A_218 : memref<1x16x1536xf32, #tpu.memory_space<vmem>> -> memref<16x1536xf32, #tpu.memory_space<vmem>>
    tpu.enqueue_dma source(%dma_start3A_219 : memref<16x1536xf32, #tpu.memory_space<vmem>>) target(%dma_start3A_215 : memref<16x1536xf32, #tpu.memory_space<hbm>>) target_semaphore(%arg15 : memref<!tpu.dma_semaphore, #tpu.memory_space<semaphore_mem>>)
    %dma_wait3A_220 = arith.constant 3 : i32
    %dma_wait3A_221 = arith.constant 0 : i32
    %dma_wait3A_222 = arith.constant 0 : i32
    %dma_wait3A_223 = tpu.memref_slice %arg6[%dma_wait3A_220, %dma_wait3A_221, %dma_wait3A_222] : memref<5x16x1536xf32, #tpu.memory_space<vmem>> -> memref<1x16x1536xf32, #tpu.memory_space<vmem>>
    %dma_wait3A_224 = tpu.memref_squeeze %dma_wait3A_223 : memref<1x16x1536xf32, #tpu.memory_space<vmem>> -> memref<16x1536xf32, #tpu.memory_space<vmem>>
    %dma_wait3A_225 = arith.constant 0 : i32
    %dma_wait3A_226 = tpu.memref_slice %arg4[%add3A_206, %dma_wait3A_225] : memref<8192x1536xf32, #tpu.memory_space<hbm>> -> memref<16x1536xf32, #tpu.memory_space<hbm>>
    %dma_wait3A_227 = arith.constant 0 : i32
    %dma_wait3A_228 = tpu.memref_slice %arg4[%add3A_206, %dma_wait3A_227] : memref<8192x1536xf32, #tpu.memory_space<hbm>> -> memref<16x1536xf32, #tpu.memory_space<hbm>>
    %dma_wait3A_229 = arith.constant 0 : i32
    %dma_wait3A_230 = arith.constant 0 : i32
    %dma_wait3A_231 = tpu.memref_slice %arg6[%dma_wait3A_220, %dma_wait3A_229, %dma_wait3A_230] : memref<5x16x1536xf32, #tpu.memory_space<vmem>> -> memref<1x16x1536xf32, #tpu.memory_space<vmem>>
    %dma_wait3A_232 = tpu.memref_squeeze %dma_wait3A_231 : memref<1x16x1536xf32, #tpu.memory_space<vmem>> -> memref<16x1536xf32, #tpu.memory_space<vmem>>
    tpu.wait_dma2 semaphore(%arg15 : memref<!tpu.dma_semaphore, #tpu.memory_space<semaphore_mem>>) src(%dma_wait3A_232 : memref<16x1536xf32, #tpu.memory_space<vmem>>) dst(%dma_wait3A_228 : memref<16x1536xf32, #tpu.memory_space<hbm>>)
    %dma_start3A_233 = arith.constant 3 : i32
    %dma_start3A_234 = arith.constant 0 : i32
    %dma_start3A_235 = arith.constant 0 : i32
    %dma_start3A_236 = tpu.memref_slice %arg6[%dma_start3A_233, %dma_start3A_234, %dma_start3A_235] : memref<5x16x1536xf32, #tpu.memory_space<vmem>> -> memref<1x16x1536xf32, #tpu.memory_space<vmem>>
    %dma_start3A_237 = tpu.memref_squeeze %dma_start3A_236 : memref<1x16x1536xf32, #tpu.memory_space<vmem>> -> memref<16x1536xf32, #tpu.memory_space<vmem>>
    %dma_start3A_238 = arith.constant 128 : i32
    %dma_start3A_239 = tpu.memref_slice %arg5[%dma_start3A_238] : memref<256xi32, #tpu.memory_space<vmem>> -> memref<16xi32, #tpu.memory_space<vmem>>
    %dma_start3A_240 = arith.constant 0 : i32
    %dma_start3A_241 = arith.constant 0 : i32
    %dma_start3A_242 = tpu.memref_slice %arg3[%dma_start3A_240, %dma_start3A_241] : memref<57344x1536xf32, #tpu.memory_space<hbm>> -> memref<57344x1536xf32, #tpu.memory_space<hbm>>
    tpu.enqueue_indirect_dma source(%dma_start3A_242 : memref<57344x1536xf32, #tpu.memory_space<hbm>>) target(%dma_start3A_237 : memref<16x1536xf32, #tpu.memory_space<vmem>>) offsets(%dma_start3A_239 : memref<16xi32, #tpu.memory_space<vmem>>) semaphore(%arg10 : memref<!tpu.dma_semaphore, #tpu.memory_space<semaphore_mem>>)
    %dma_wait3A_243 = arith.constant 4 : i32
    %dma_wait3A_244 = arith.constant 0 : i32
    %dma_wait3A_245 = arith.constant 0 : i32
    %dma_wait3A_246 = tpu.memref_slice %arg6[%dma_wait3A_243, %dma_wait3A_244, %dma_wait3A_245] : memref<5x16x1536xf32, #tpu.memory_space<vmem>> -> memref<1x16x1536xf32, #tpu.memory_space<vmem>>
    %dma_wait3A_247 = tpu.memref_squeeze %dma_wait3A_246 : memref<1x16x1536xf32, #tpu.memory_space<vmem>> -> memref<16x1536xf32, #tpu.memory_space<vmem>>
    %dma_wait3A_248 = arith.constant 64 : i32
    %dma_wait3A_249 = tpu.memref_slice %arg5[%dma_wait3A_248] : memref<256xi32, #tpu.memory_space<vmem>> -> memref<16xi32, #tpu.memory_space<vmem>>
    %dma_wait3A_250 = arith.constant 0 : i32
    %dma_wait3A_251 = arith.constant 0 : i32
    %dma_wait3A_252 = tpu.memref_slice %arg3[%dma_wait3A_250, %dma_wait3A_251] : memref<57344x1536xf32, #tpu.memory_space<hbm>> -> memref<57344x1536xf32, #tpu.memory_space<hbm>>
    tpu.wait_indirect_dma semaphore(%arg11 : memref<!tpu.dma_semaphore, #tpu.memory_space<semaphore_mem>>) src(%dma_wait3A_252 : memref<57344x1536xf32, #tpu.memory_space<hbm>>) dst(%dma_wait3A_247 : memref<16x1536xf32, #tpu.memory_space<vmem>>)
    %add3A_253 = arith.constant 64 : i32
    %add3A_254 = arith.addi %mul3A_2, %add3A_253 : i32
    %dma_start3A_255 = arith.constant 4 : i32
    %dma_start3A_256 = arith.constant 0 : i32
    %dma_start3A_257 = arith.constant 0 : i32
    %dma_start3A_258 = tpu.memref_slice %arg6[%dma_start3A_255, %dma_start3A_256, %dma_start3A_257] : memref<5x16x1536xf32, #tpu.memory_space<vmem>> -> memref<1x16x1536xf32, #tpu.memory_space<vmem>>
    %dma_start3A_259 = tpu.memref_squeeze %dma_start3A_258 : memref<1x16x1536xf32, #tpu.memory_space<vmem>> -> memref<16x1536xf32, #tpu.memory_space<vmem>>
    %dma_start3A_260 = arith.constant 0 : i32
    %dma_start3A_261 = tpu.memref_slice %arg4[%add3A_254, %dma_start3A_260] : memref<8192x1536xf32, #tpu.memory_space<hbm>> -> memref<16x1536xf32, #tpu.memory_space<hbm>>
    %dma_start3A_262 = arith.constant 0 : i32
    %dma_start3A_263 = tpu.memref_slice %arg4[%add3A_254, %dma_start3A_262] : memref<8192x1536xf32, #tpu.memory_space<hbm>> -> memref<16x1536xf32, #tpu.memory_space<hbm>>
    %dma_start3A_264 = arith.constant 0 : i32
    %dma_start3A_265 = arith.constant 0 : i32
    %dma_start3A_266 = tpu.memref_slice %arg6[%dma_start3A_255, %dma_start3A_264, %dma_start3A_265] : memref<5x16x1536xf32, #tpu.memory_space<vmem>> -> memref<1x16x1536xf32, #tpu.memory_space<vmem>>
    %dma_start3A_267 = tpu.memref_squeeze %dma_start3A_266 : memref<1x16x1536xf32, #tpu.memory_space<vmem>> -> memref<16x1536xf32, #tpu.memory_space<vmem>>
    tpu.enqueue_dma source(%dma_start3A_267 : memref<16x1536xf32, #tpu.memory_space<vmem>>) target(%dma_start3A_263 : memref<16x1536xf32, #tpu.memory_space<hbm>>) target_semaphore(%arg16 : memref<!tpu.dma_semaphore, #tpu.memory_space<semaphore_mem>>)
    %dma_wait3A_268 = arith.constant 4 : i32
    %dma_wait3A_269 = arith.constant 0 : i32
    %dma_wait3A_270 = arith.constant 0 : i32
    %dma_wait3A_271 = tpu.memref_slice %arg6[%dma_wait3A_268, %dma_wait3A_269, %dma_wait3A_270] : memref<5x16x1536xf32, #tpu.memory_space<vmem>> -> memref<1x16x1536xf32, #tpu.memory_space<vmem>>
    %dma_wait3A_272 = tpu.memref_squeeze %dma_wait3A_271 : memref<1x16x1536xf32, #tpu.memory_space<vmem>> -> memref<16x1536xf32, #tpu.memory_space<vmem>>
    %dma_wait3A_273 = arith.constant 0 : i32
    %dma_wait3A_274 = tpu.memref_slice %arg4[%add3A_254, %dma_wait3A_273] : memref<8192x1536xf32, #tpu.memory_space<hbm>> -> memref<16x1536xf32, #tpu.memory_space<hbm>>
    %dma_wait3A_275 = arith.constant 0 : i32
    %dma_wait3A_276 = tpu.memref_slice %arg4[%add3A_254, %dma_wait3A_275] : memref<8192x1536xf32, #tpu.memory_space<hbm>> -> memref<16x1536xf32, #tpu.memory_space<hbm>>
    %dma_wait3A_277 = arith.constant 0 : i32
    %dma_wait3A_278 = arith.constant 0 : i32
    %dma_wait3A_279 = tpu.memref_slice %arg6[%dma_wait3A_268, %dma_wait3A_277, %dma_wait3A_278] : memref<5x16x1536xf32, #tpu.memory_space<vmem>> -> memref<1x16x1536xf32, #tpu.memory_space<vmem>>
    %dma_wait3A_280 = tpu.memref_squeeze %dma_wait3A_279 : memref<1x16x1536xf32, #tpu.memory_space<vmem>> -> memref<16x1536xf32, #tpu.memory_space<vmem>>
    tpu.wait_dma2 semaphore(%arg16 : memref<!tpu.dma_semaphore, #tpu.memory_space<semaphore_mem>>) src(%dma_wait3A_280 : memref<16x1536xf32, #tpu.memory_space<vmem>>) dst(%dma_wait3A_276 : memref<16x1536xf32, #tpu.memory_space<hbm>>)
    %dma_start3A_281 = arith.constant 4 : i32
    %dma_start3A_282 = arith.constant 0 : i32
    %dma_start3A_283 = arith.constant 0 : i32
    %dma_start3A_284 = tpu.memref_slice %arg6[%dma_start3A_281, %dma_start3A_282, %dma_start3A_283] : memref<5x16x1536xf32, #tpu.memory_space<vmem>> -> memref<1x16x1536xf32, #tpu.memory_space<vmem>>
    %dma_start3A_285 = tpu.memref_squeeze %dma_start3A_284 : memref<1x16x1536xf32, #tpu.memory_space<vmem>> -> memref<16x1536xf32, #tpu.memory_space<vmem>>
    %dma_start3A_286 = arith.constant 144 : i32
    %dma_start3A_287 = tpu.memref_slice %arg5[%dma_start3A_286] : memref<256xi32, #tpu.memory_space<vmem>> -> memref<16xi32, #tpu.memory_space<vmem>>
    %dma_start3A_288 = arith.constant 0 : i32
    %dma_start3A_289 = arith.constant 0 : i32
    %dma_start3A_290 = tpu.memref_slice %arg3[%dma_start3A_288, %dma_start3A_289] : memref<57344x1536xf32, #tpu.memory_space<hbm>> -> memref<57344x1536xf32, #tpu.memory_space<hbm>>
    tpu.enqueue_indirect_dma source(%dma_start3A_290 : memref<57344x1536xf32, #tpu.memory_space<hbm>>) target(%dma_start3A_285 : memref<16x1536xf32, #tpu.memory_space<vmem>>) offsets(%dma_start3A_287 : memref<16xi32, #tpu.memory_space<vmem>>) semaphore(%arg11 : memref<!tpu.dma_semaphore, #tpu.memory_space<semaphore_mem>>)
    %dma_wait3A_291 = arith.constant 0 : i32
    %dma_wait3A_292 = arith.constant 0 : i32
    %dma_wait3A_293 = arith.constant 0 : i32
    %dma_wait3A_294 = tpu.memref_slice %arg6[%dma_wait3A_291, %dma_wait3A_292, %dma_wait3A_293] : memref<5x16x1536xf32, #tpu.memory_space<vmem>> -> memref<1x16x1536xf32, #tpu.memory_space<vmem>>
    %dma_wait3A_295 = tpu.memref_squeeze %dma_wait3A_294 : memref<1x16x1536xf32, #tpu.memory_space<vmem>> -> memref<16x1536xf32, #tpu.memory_space<vmem>>
    %dma_wait3A_296 = arith.constant 80 : i32
    %dma_wait3A_297 = tpu.memref_slice %arg5[%dma_wait3A_296] : memref<256xi32, #tpu.memory_space<vmem>> -> memref<16xi32, #tpu.memory_space<vmem>>
    %dma_wait3A_298 = arith.constant 0 : i32
    %dma_wait3A_299 = arith.constant 0 : i32
    %dma_wait3A_300 = tpu.memref_slice %arg3[%dma_wait3A_298, %dma_wait3A_299] : memref<57344x1536xf32, #tpu.memory_space<hbm>> -> memref<57344x1536xf32, #tpu.memory_space<hbm>>
    tpu.wait_indirect_dma semaphore(%arg7 : memref<!tpu.dma_semaphore, #tpu.memory_space<semaphore_mem>>) src(%dma_wait3A_300 : memref<57344x1536xf32, #tpu.memory_space<hbm>>) dst(%dma_wait3A_295 : memref<16x1536xf32, #tpu.memory_space<vmem>>)
    %add3A_301 = arith.constant 80 : i32
    %add3A_302 = arith.addi %mul3A_2, %add3A_301 : i32
    %dma_start3A_303 = arith.constant 0 : i32
    %dma_start3A_304 = arith.constant 0 : i32
    %dma_start3A_305 = arith.constant 0 : i32
    %dma_start3A_306 = tpu.memref_slice %arg6[%dma_start3A_303, %dma_start3A_304, %dma_start3A_305] : memref<5x16x1536xf32, #tpu.memory_space<vmem>> -> memref<1x16x1536xf32, #tpu.memory_space<vmem>>
    %dma_start3A_307 = tpu.memref_squeeze %dma_start3A_306 : memref<1x16x1536xf32, #tpu.memory_space<vmem>> -> memref<16x1536xf32, #tpu.memory_space<vmem>>
    %dma_start3A_308 = arith.constant 0 : i32
    %dma_start3A_309 = tpu.memref_slice %arg4[%add3A_302, %dma_start3A_308] : memref<8192x1536xf32, #tpu.memory_space<hbm>> -> memref<16x1536xf32, #tpu.memory_space<hbm>>
    %dma_start3A_310 = arith.constant 0 : i32
    %dma_start3A_311 = tpu.memref_slice %arg4[%add3A_302, %dma_start3A_310] : memref<8192x1536xf32, #tpu.memory_space<hbm>> -> memref<16x1536xf32, #tpu.memory_space<hbm>>
    %dma_start3A_312 = arith.constant 0 : i32
    %dma_start3A_313 = arith.constant 0 : i32
    %dma_start3A_314 = tpu.memref_slice %arg6[%dma_start3A_303, %dma_start3A_312, %dma_start3A_313] : memref<5x16x1536xf32, #tpu.memory_space<vmem>> -> memref<1x16x1536xf32, #tpu.memory_space<vmem>>
    %dma_start3A_315 = tpu.memref_squeeze %dma_start3A_314 : memref<1x16x1536xf32, #tpu.memory_space<vmem>> -> memref<16x1536xf32, #tpu.memory_space<vmem>>
    tpu.enqueue_dma source(%dma_start3A_315 : memref<16x1536xf32, #tpu.memory_space<vmem>>) target(%dma_start3A_311 : memref<16x1536xf32, #tpu.memory_space<hbm>>) target_semaphore(%arg12 : memref<!tpu.dma_semaphore, #tpu.memory_space<semaphore_mem>>)
    %dma_wait3A_316 = arith.constant 0 : i32
    %dma_wait3A_317 = arith.constant 0 : i32
    %dma_wait3A_318 = arith.constant 0 : i32
    %dma_wait3A_319 = tpu.memref_slice %arg6[%dma_wait3A_316, %dma_wait3A_317, %dma_wait3A_318] : memref<5x16x1536xf32, #tpu.memory_space<vmem>> -> memref<1x16x1536xf32, #tpu.memory_space<vmem>>
    %dma_wait3A_320 = tpu.memref_squeeze %dma_wait3A_319 : memref<1x16x1536xf32, #tpu.memory_space<vmem>> -> memref<16x1536xf32, #tpu.memory_space<vmem>>
    %dma_wait3A_321 = arith.constant 0 : i32
    %dma_wait3A_322 = tpu.memref_slice %arg4[%add3A_302, %dma_wait3A_321] : memref<8192x1536xf32, #tpu.memory_space<hbm>> -> memref<16x1536xf32, #tpu.memory_space<hbm>>
    %dma_wait3A_323 = arith.constant 0 : i32
    %dma_wait3A_324 = tpu.memref_slice %arg4[%add3A_302, %dma_wait3A_323] : memref<8192x1536xf32, #tpu.memory_space<hbm>> -> memref<16x1536xf32, #tpu.memory_space<hbm>>
    %dma_wait3A_325 = arith.constant 0 : i32
    %dma_wait3A_326 = arith.constant 0 : i32
    %dma_wait3A_327 = tpu.memref_slice %arg6[%dma_wait3A_316, %dma_wait3A_325, %dma_wait3A_326] : memref<5x16x1536xf32, #tpu.memory_space<vmem>> -> memref<1x16x1536xf32, #tpu.memory_space<vmem>>
    %dma_wait3A_328 = tpu.memref_squeeze %dma_wait3A_327 : memref<1x16x1536xf32, #tpu.memory_space<vmem>> -> memref<16x1536xf32, #tpu.memory_space<vmem>>
    tpu.wait_dma2 semaphore(%arg12 : memref<!tpu.dma_semaphore, #tpu.memory_space<semaphore_mem>>) src(%dma_wait3A_328 : memref<16x1536xf32, #tpu.memory_space<vmem>>) dst(%dma_wait3A_324 : memref<16x1536xf32, #tpu.memory_space<hbm>>)
    %dma_start3A_329 = arith.constant 0 : i32
    %dma_start3A_330 = arith.constant 0 : i32
    %dma_start3A_331 = arith.constant 0 : i32
    %dma_start3A_332 = tpu.memref_slice %arg6[%dma_start3A_329, %dma_start3A_330, %dma_start3A_331] : memref<5x16x1536xf32, #tpu.memory_space<vmem>> -> memref<1x16x1536xf32, #tpu.memory_space<vmem>>
    %dma_start3A_333 = tpu.memref_squeeze %dma_start3A_332 : memref<1x16x1536xf32, #tpu.memory_space<vmem>> -> memref<16x1536xf32, #tpu.memory_space<vmem>>
    %dma_start3A_334 = arith.constant 160 : i32
    %dma_start3A_335 = tpu.memref_slice %arg5[%dma_start3A_334] : memref<256xi32, #tpu.memory_space<vmem>> -> memref<16xi32, #tpu.memory_space<vmem>>
    %dma_start3A_336 = arith.constant 0 : i32
    %dma_start3A_337 = arith.constant 0 : i32
    %dma_start3A_338 = tpu.memref_slice %arg3[%dma_start3A_336, %dma_start3A_337] : memref<57344x1536xf32, #tpu.memory_space<hbm>> -> memref<57344x1536xf32, #tpu.memory_space<hbm>>
    tpu.enqueue_indirect_dma source(%dma_start3A_338 : memref<57344x1536xf32, #tpu.memory_space<hbm>>) target(%dma_start3A_333 : memref<16x1536xf32, #tpu.memory_space<vmem>>) offsets(%dma_start3A_335 : memref<16xi32, #tpu.memory_space<vmem>>) semaphore(%arg7 : memref<!tpu.dma_semaphore, #tpu.memory_space<semaphore_mem>>)
    %dma_wait3A_339 = arith.constant 1 : i32
    %dma_wait3A_340 = arith.constant 0 : i32
    %dma_wait3A_341 = arith.constant 0 : i32
    %dma_wait3A_342 = tpu.memref_slice %arg6[%dma_wait3A_339, %dma_wait3A_340, %dma_wait3A_341] : memref<5x16x1536xf32, #tpu.memory_space<vmem>> -> memref<1x16x1536xf32, #tpu.memory_space<vmem>>
    %dma_wait3A_343 = tpu.memref_squeeze %dma_wait3A_342 : memref<1x16x1536xf32, #tpu.memory_space<vmem>> -> memref<16x1536xf32, #tpu.memory_space<vmem>>
    %dma_wait3A_344 = arith.constant 96 : i32
    %dma_wait3A_345 = tpu.memref_slice %arg5[%dma_wait3A_344] : memref<256xi32, #tpu.memory_space<vmem>> -> memref<16xi32, #tpu.memory_space<vmem>>
    %dma_wait3A_346 = arith.constant 0 : i32
    %dma_wait3A_347 = arith.constant 0 : i32
    %dma_wait3A_348 = tpu.memref_slice %arg3[%dma_wait3A_346, %dma_wait3A_347] : memref<57344x1536xf32, #tpu.memory_space<hbm>> -> memref<57344x1536xf32, #tpu.memory_space<hbm>>
    tpu.wait_indirect_dma semaphore(%arg8 : memref<!tpu.dma_semaphore, #tpu.memory_space<semaphore_mem>>) src(%dma_wait3A_348 : memref<57344x1536xf32, #tpu.memory_space<hbm>>) dst(%dma_wait3A_343 : memref<16x1536xf32, #tpu.memory_space<vmem>>)
    %add3A_349 = arith.constant 96 : i32
    %add3A_350 = arith.addi %mul3A_2, %add3A_349 : i32
    %dma_start3A_351 = arith.constant 1 : i32
    %dma_start3A_352 = arith.constant 0 : i32
    %dma_start3A_353 = arith.constant 0 : i32
    %dma_start3A_354 = tpu.memref_slice %arg6[%dma_start3A_351, %dma_start3A_352, %dma_start3A_353] : memref<5x16x1536xf32, #tpu.memory_space<vmem>> -> memref<1x16x1536xf32, #tpu.memory_space<vmem>>
    %dma_start3A_355 = tpu.memref_squeeze %dma_start3A_354 : memref<1x16x1536xf32, #tpu.memory_space<vmem>> -> memref<16x1536xf32, #tpu.memory_space<vmem>>
    %dma_start3A_356 = arith.constant 0 : i32
    %dma_start3A_357 = tpu.memref_slice %arg4[%add3A_350, %dma_start3A_356] : memref<8192x1536xf32, #tpu.memory_space<hbm>> -> memref<16x1536xf32, #tpu.memory_space<hbm>>
    %dma_start3A_358 = arith.constant 0 : i32
    %dma_start3A_359 = tpu.memref_slice %arg4[%add3A_350, %dma_start3A_358] : memref<8192x1536xf32, #tpu.memory_space<hbm>> -> memref<16x1536xf32, #tpu.memory_space<hbm>>
    %dma_start3A_360 = arith.constant 0 : i32
    %dma_start3A_361 = arith.constant 0 : i32
    %dma_start3A_362 = tpu.memref_slice %arg6[%dma_start3A_351, %dma_start3A_360, %dma_start3A_361] : memref<5x16x1536xf32, #tpu.memory_space<vmem>> -> memref<1x16x1536xf32, #tpu.memory_space<vmem>>
    %dma_start3A_363 = tpu.memref_squeeze %dma_start3A_362 : memref<1x16x1536xf32, #tpu.memory_space<vmem>> -> memref<16x1536xf32, #tpu.memory_space<vmem>>
    tpu.enqueue_dma source(%dma_start3A_363 : memref<16x1536xf32, #tpu.memory_space<vmem>>) target(%dma_start3A_359 : memref<16x1536xf32, #tpu.memory_space<hbm>>) target_semaphore(%arg13 : memref<!tpu.dma_semaphore, #tpu.memory_space<semaphore_mem>>)
    %dma_wait3A_364 = arith.constant 1 : i32
    %dma_wait3A_365 = arith.constant 0 : i32
    %dma_wait3A_366 = arith.constant 0 : i32
    %dma_wait3A_367 = tpu.memref_slice %arg6[%dma_wait3A_364, %dma_wait3A_365, %dma_wait3A_366] : memref<5x16x1536xf32, #tpu.memory_space<vmem>> -> memref<1x16x1536xf32, #tpu.memory_space<vmem>>
    %dma_wait3A_368 = tpu.memref_squeeze %dma_wait3A_367 : memref<1x16x1536xf32, #tpu.memory_space<vmem>> -> memref<16x1536xf32, #tpu.memory_space<vmem>>
    %dma_wait3A_369 = arith.constant 0 : i32
    %dma_wait3A_370 = tpu.memref_slice %arg4[%add3A_350, %dma_wait3A_369] : memref<8192x1536xf32, #tpu.memory_space<hbm>> -> memref<16x1536xf32, #tpu.memory_space<hbm>>
    %dma_wait3A_371 = arith.constant 0 : i32
    %dma_wait3A_372 = tpu.memref_slice %arg4[%add3A_350, %dma_wait3A_371] : memref<8192x1536xf32, #tpu.memory_space<hbm>> -> memref<16x1536xf32, #tpu.memory_space<hbm>>
    %dma_wait3A_373 = arith.constant 0 : i32
    %dma_wait3A_374 = arith.constant 0 : i32
    %dma_wait3A_375 = tpu.memref_slice %arg6[%dma_wait3A_364, %dma_wait3A_373, %dma_wait3A_374] : memref<5x16x1536xf32, #tpu.memory_space<vmem>> -> memref<1x16x1536xf32, #tpu.memory_space<vmem>>
    %dma_wait3A_376 = tpu.memref_squeeze %dma_wait3A_375 : memref<1x16x1536xf32, #tpu.memory_space<vmem>> -> memref<16x1536xf32, #tpu.memory_space<vmem>>
    tpu.wait_dma2 semaphore(%arg13 : memref<!tpu.dma_semaphore, #tpu.memory_space<semaphore_mem>>) src(%dma_wait3A_376 : memref<16x1536xf32, #tpu.memory_space<vmem>>) dst(%dma_wait3A_372 : memref<16x1536xf32, #tpu.memory_space<hbm>>)
    %dma_start3A_377 = arith.constant 1 : i32
    %dma_start3A_378 = arith.constant 0 : i32
    %dma_start3A_379 = arith.constant 0 : i32
    %dma_start3A_380 = tpu.memref_slice %arg6[%dma_start3A_377, %dma_start3A_378, %dma_start3A_379] : memref<5x16x1536xf32, #tpu.memory_space<vmem>> -> memref<1x16x1536xf32, #tpu.memory_space<vmem>>
    %dma_start3A_381 = tpu.memref_squeeze %dma_start3A_380 : memref<1x16x1536xf32, #tpu.memory_space<vmem>> -> memref<16x1536xf32, #tpu.memory_space<vmem>>
    %dma_start3A_382 = arith.constant 176 : i32
    %dma_start3A_383 = tpu.memref_slice %arg5[%dma_start3A_382] : memref<256xi32, #tpu.memory_space<vmem>> -> memref<16xi32, #tpu.memory_space<vmem>>
    %dma_start3A_384 = arith.constant 0 : i32
    %dma_start3A_385 = arith.constant 0 : i32
    %dma_start3A_386 = tpu.memref_slice %arg3[%dma_start3A_384, %dma_start3A_385] : memref<57344x1536xf32, #tpu.memory_space<hbm>> -> memref<57344x1536xf32, #tpu.memory_space<hbm>>
    tpu.enqueue_indirect_dma source(%dma_start3A_386 : memref<57344x1536xf32, #tpu.memory_space<hbm>>) target(%dma_start3A_381 : memref<16x1536xf32, #tpu.memory_space<vmem>>) offsets(%dma_start3A_383 : memref<16xi32, #tpu.memory_space<vmem>>) semaphore(%arg8 : memref<!tpu.dma_semaphore, #tpu.memory_space<semaphore_mem>>)
    %dma_wait3A_387 = arith.constant 2 : i32
    %dma_wait3A_388 = arith.constant 0 : i32
    %dma_wait3A_389 = arith.constant 0 : i32
    %dma_wait3A_390 = tpu.memref_slice %arg6[%dma_wait3A_387, %dma_wait3A_388, %dma_wait3A_389] : memref<5x16x1536xf32, #tpu.memory_space<vmem>> -> memref<1x16x1536xf32, #tpu.memory_space<vmem>>
    %dma_wait3A_391 = tpu.memref_squeeze %dma_wait3A_390 : memref<1x16x1536xf32, #tpu.memory_space<vmem>> -> memref<16x1536xf32, #tpu.memory_space<vmem>>
    %dma_wait3A_392 = arith.constant 112 : i32
    %dma_wait3A_393 = tpu.memref_slice %arg5[%dma_wait3A_392] : memref<256xi32, #tpu.memory_space<vmem>> -> memref<16xi32, #tpu.memory_space<vmem>>
    %dma_wait3A_394 = arith.constant 0 : i32
    %dma_wait3A_395 = arith.constant 0 : i32
    %dma_wait3A_396 = tpu.memref_slice %arg3[%dma_wait3A_394, %dma_wait3A_395] : memref<57344x1536xf32, #tpu.memory_space<hbm>> -> memref<57344x1536xf32, #tpu.memory_space<hbm>>
    tpu.wait_indirect_dma semaphore(%arg9 : memref<!tpu.dma_semaphore, #tpu.memory_space<semaphore_mem>>) src(%dma_wait3A_396 : memref<57344x1536xf32, #tpu.memory_space<hbm>>) dst(%dma_wait3A_391 : memref<16x1536xf32, #tpu.memory_space<vmem>>)
    %add3A_397 = arith.constant 112 : i32
    %add3A_398 = arith.addi %mul3A_2, %add3A_397 : i32
    %dma_start3A_399 = arith.constant 2 : i32
    %dma_start3A_400 = arith.constant 0 : i32
    %dma_start3A_401 = arith.constant 0 : i32
    %dma_start3A_402 = tpu.memref_slice %arg6[%dma_start3A_399, %dma_start3A_400, %dma_start3A_401] : memref<5x16x1536xf32, #tpu.memory_space<vmem>> -> memref<1x16x1536xf32, #tpu.memory_space<vmem>>
    %dma_start3A_403 = tpu.memref_squeeze %dma_start3A_402 : memref<1x16x1536xf32, #tpu.memory_space<vmem>> -> memref<16x1536xf32, #tpu.memory_space<vmem>>
    %dma_start3A_404 = arith.constant 0 : i32
    %dma_start3A_405 = tpu.memref_slice %arg4[%add3A_398, %dma_start3A_404] : memref<8192x1536xf32, #tpu.memory_space<hbm>> -> memref<16x1536xf32, #tpu.memory_space<hbm>>
    %dma_start3A_406 = arith.constant 0 : i32
    %dma_start3A_407 = tpu.memref_slice %arg4[%add3A_398, %dma_start3A_406] : memref<8192x1536xf32, #tpu.memory_space<hbm>> -> memref<16x1536xf32, #tpu.memory_space<hbm>>
    %dma_start3A_408 = arith.constant 0 : i32
    %dma_start3A_409 = arith.constant 0 : i32
    %dma_start3A_410 = tpu.memref_slice %arg6[%dma_start3A_399, %dma_start3A_408, %dma_start3A_409] : memref<5x16x1536xf32, #tpu.memory_space<vmem>> -> memref<1x16x1536xf32, #tpu.memory_space<vmem>>
    %dma_start3A_411 = tpu.memref_squeeze %dma_start3A_410 : memref<1x16x1536xf32, #tpu.memory_space<vmem>> -> memref<16x1536xf32, #tpu.memory_space<vmem>>
    tpu.enqueue_dma source(%dma_start3A_411 : memref<16x1536xf32, #tpu.memory_space<vmem>>) target(%dma_start3A_407 : memref<16x1536xf32, #tpu.memory_space<hbm>>) target_semaphore(%arg14 : memref<!tpu.dma_semaphore, #tpu.memory_space<semaphore_mem>>)
    %dma_wait3A_412 = arith.constant 2 : i32
    %dma_wait3A_413 = arith.constant 0 : i32
    %dma_wait3A_414 = arith.constant 0 : i32
    %dma_wait3A_415 = tpu.memref_slice %arg6[%dma_wait3A_412, %dma_wait3A_413, %dma_wait3A_414] : memref<5x16x1536xf32, #tpu.memory_space<vmem>> -> memref<1x16x1536xf32, #tpu.memory_space<vmem>>
    %dma_wait3A_416 = tpu.memref_squeeze %dma_wait3A_415 : memref<1x16x1536xf32, #tpu.memory_space<vmem>> -> memref<16x1536xf32, #tpu.memory_space<vmem>>
    %dma_wait3A_417 = arith.constant 0 : i32
    %dma_wait3A_418 = tpu.memref_slice %arg4[%add3A_398, %dma_wait3A_417] : memref<8192x1536xf32, #tpu.memory_space<hbm>> -> memref<16x1536xf32, #tpu.memory_space<hbm>>
    %dma_wait3A_419 = arith.constant 0 : i32
    %dma_wait3A_420 = tpu.memref_slice %arg4[%add3A_398, %dma_wait3A_419] : memref<8192x1536xf32, #tpu.memory_space<hbm>> -> memref<16x1536xf32, #tpu.memory_space<hbm>>
    %dma_wait3A_421 = arith.constant 0 : i32
    %dma_wait3A_422 = arith.constant 0 : i32
    %dma_wait3A_423 = tpu.memref_slice %arg6[%dma_wait3A_412, %dma_wait3A_421, %dma_wait3A_422] : memref<5x16x1536xf32, #tpu.memory_space<vmem>> -> memref<1x16x1536xf32, #tpu.memory_space<vmem>>
    %dma_wait3A_424 = tpu.memref_squeeze %dma_wait3A_423 : memref<1x16x1536xf32, #tpu.memory_space<vmem>> -> memref<16x1536xf32, #tpu.memory_space<vmem>>
    tpu.wait_dma2 semaphore(%arg14 : memref<!tpu.dma_semaphore, #tpu.memory_space<semaphore_mem>>) src(%dma_wait3A_424 : memref<16x1536xf32, #tpu.memory_space<vmem>>) dst(%dma_wait3A_420 : memref<16x1536xf32, #tpu.memory_space<hbm>>)
    %dma_start3A_425 = arith.constant 2 : i32
    %dma_start3A_426 = arith.constant 0 : i32
    %dma_start3A_427 = arith.constant 0 : i32
    %dma_start3A_428 = tpu.memref_slice %arg6[%dma_start3A_425, %dma_start3A_426, %dma_start3A_427] : memref<5x16x1536xf32, #tpu.memory_space<vmem>> -> memref<1x16x1536xf32, #tpu.memory_space<vmem>>
    %dma_start3A_429 = tpu.memref_squeeze %dma_start3A_428 : memref<1x16x1536xf32, #tpu.memory_space<vmem>> -> memref<16x1536xf32, #tpu.memory_space<vmem>>
    %dma_start3A_430 = arith.constant 192 : i32
    %dma_start3A_431 = tpu.memref_slice %arg5[%dma_start3A_430] : memref<256xi32, #tpu.memory_space<vmem>> -> memref<16xi32, #tpu.memory_space<vmem>>
    %dma_start3A_432 = arith.constant 0 : i32
    %dma_start3A_433 = arith.constant 0 : i32
    %dma_start3A_434 = tpu.memref_slice %arg3[%dma_start3A_432, %dma_start3A_433] : memref<57344x1536xf32, #tpu.memory_space<hbm>> -> memref<57344x1536xf32, #tpu.memory_space<hbm>>
    tpu.enqueue_indirect_dma source(%dma_start3A_434 : memref<57344x1536xf32, #tpu.memory_space<hbm>>) target(%dma_start3A_429 : memref<16x1536xf32, #tpu.memory_space<vmem>>) offsets(%dma_start3A_431 : memref<16xi32, #tpu.memory_space<vmem>>) semaphore(%arg9 : memref<!tpu.dma_semaphore, #tpu.memory_space<semaphore_mem>>)
    %dma_wait3A_435 = arith.constant 3 : i32
    %dma_wait3A_436 = arith.constant 0 : i32
    %dma_wait3A_437 = arith.constant 0 : i32
    %dma_wait3A_438 = tpu.memref_slice %arg6[%dma_wait3A_435, %dma_wait3A_436, %dma_wait3A_437] : memref<5x16x1536xf32, #tpu.memory_space<vmem>> -> memref<1x16x1536xf32, #tpu.memory_space<vmem>>
    %dma_wait3A_439 = tpu.memref_squeeze %dma_wait3A_438 : memref<1x16x1536xf32, #tpu.memory_space<vmem>> -> memref<16x1536xf32, #tpu.memory_space<vmem>>
    %dma_wait3A_440 = arith.constant 128 : i32
    %dma_wait3A_441 = tpu.memref_slice %arg5[%dma_wait3A_440] : memref<256xi32, #tpu.memory_space<vmem>> -> memref<16xi32, #tpu.memory_space<vmem>>
    %dma_wait3A_442 = arith.constant 0 : i32
    %dma_wait3A_443 = arith.constant 0 : i32
    %dma_wait3A_444 = tpu.memref_slice %arg3[%dma_wait3A_442, %dma_wait3A_443] : memref<57344x1536xf32, #tpu.memory_space<hbm>> -> memref<57344x1536xf32, #tpu.memory_space<hbm>>
    tpu.wait_indirect_dma semaphore(%arg10 : memref<!tpu.dma_semaphore, #tpu.memory_space<semaphore_mem>>) src(%dma_wait3A_444 : memref<57344x1536xf32, #tpu.memory_space<hbm>>) dst(%dma_wait3A_439 : memref<16x1536xf32, #tpu.memory_space<vmem>>)
    %add3A_445 = arith.constant 128 : i32
    %add3A_446 = arith.addi %mul3A_2, %add3A_445 : i32
    %dma_start3A_447 = arith.constant 3 : i32
    %dma_start3A_448 = arith.constant 0 : i32
    %dma_start3A_449 = arith.constant 0 : i32
    %dma_start3A_450 = tpu.memref_slice %arg6[%dma_start3A_447, %dma_start3A_448, %dma_start3A_449] : memref<5x16x1536xf32, #tpu.memory_space<vmem>> -> memref<1x16x1536xf32, #tpu.memory_space<vmem>>
    %dma_start3A_451 = tpu.memref_squeeze %dma_start3A_450 : memref<1x16x1536xf32, #tpu.memory_space<vmem>> -> memref<16x1536xf32, #tpu.memory_space<vmem>>
    %dma_start3A_452 = arith.constant 0 : i32
    %dma_start3A_453 = tpu.memref_slice %arg4[%add3A_446, %dma_start3A_452] : memref<8192x1536xf32, #tpu.memory_space<hbm>> -> memref<16x1536xf32, #tpu.memory_space<hbm>>
    %dma_start3A_454 = arith.constant 0 : i32
    %dma_start3A_455 = tpu.memref_slice %arg4[%add3A_446, %dma_start3A_454] : memref<8192x1536xf32, #tpu.memory_space<hbm>> -> memref<16x1536xf32, #tpu.memory_space<hbm>>
    %dma_start3A_456 = arith.constant 0 : i32
    %dma_start3A_457 = arith.constant 0 : i32
    %dma_start3A_458 = tpu.memref_slice %arg6[%dma_start3A_447, %dma_start3A_456, %dma_start3A_457] : memref<5x16x1536xf32, #tpu.memory_space<vmem>> -> memref<1x16x1536xf32, #tpu.memory_space<vmem>>
    %dma_start3A_459 = tpu.memref_squeeze %dma_start3A_458 : memref<1x16x1536xf32, #tpu.memory_space<vmem>> -> memref<16x1536xf32, #tpu.memory_space<vmem>>
    tpu.enqueue_dma source(%dma_start3A_459 : memref<16x1536xf32, #tpu.memory_space<vmem>>) target(%dma_start3A_455 : memref<16x1536xf32, #tpu.memory_space<hbm>>) target_semaphore(%arg15 : memref<!tpu.dma_semaphore, #tpu.memory_space<semaphore_mem>>)
    %dma_wait3A_460 = arith.constant 3 : i32
    %dma_wait3A_461 = arith.constant 0 : i32
    %dma_wait3A_462 = arith.constant 0 : i32
    %dma_wait3A_463 = tpu.memref_slice %arg6[%dma_wait3A_460, %dma_wait3A_461, %dma_wait3A_462] : memref<5x16x1536xf32, #tpu.memory_space<vmem>> -> memref<1x16x1536xf32, #tpu.memory_space<vmem>>
    %dma_wait3A_464 = tpu.memref_squeeze %dma_wait3A_463 : memref<1x16x1536xf32, #tpu.memory_space<vmem>> -> memref<16x1536xf32, #tpu.memory_space<vmem>>
    %dma_wait3A_465 = arith.constant 0 : i32
    %dma_wait3A_466 = tpu.memref_slice %arg4[%add3A_446, %dma_wait3A_465] : memref<8192x1536xf32, #tpu.memory_space<hbm>> -> memref<16x1536xf32, #tpu.memory_space<hbm>>
    %dma_wait3A_467 = arith.constant 0 : i32
    %dma_wait3A_468 = tpu.memref_slice %arg4[%add3A_446, %dma_wait3A_467] : memref<8192x1536xf32, #tpu.memory_space<hbm>> -> memref<16x1536xf32, #tpu.memory_space<hbm>>
    %dma_wait3A_469 = arith.constant 0 : i32
    %dma_wait3A_470 = arith.constant 0 : i32
    %dma_wait3A_471 = tpu.memref_slice %arg6[%dma_wait3A_460, %dma_wait3A_469, %dma_wait3A_470] : memref<5x16x1536xf32, #tpu.memory_space<vmem>> -> memref<1x16x1536xf32, #tpu.memory_space<vmem>>
    %dma_wait3A_472 = tpu.memref_squeeze %dma_wait3A_471 : memref<1x16x1536xf32, #tpu.memory_space<vmem>> -> memref<16x1536xf32, #tpu.memory_space<vmem>>
    tpu.wait_dma2 semaphore(%arg15 : memref<!tpu.dma_semaphore, #tpu.memory_space<semaphore_mem>>) src(%dma_wait3A_472 : memref<16x1536xf32, #tpu.memory_space<vmem>>) dst(%dma_wait3A_468 : memref<16x1536xf32, #tpu.memory_space<hbm>>)
    %dma_start3A_473 = arith.constant 3 : i32
    %dma_start3A_474 = arith.constant 0 : i32
    %dma_start3A_475 = arith.constant 0 : i32
    %dma_start3A_476 = tpu.memref_slice %arg6[%dma_start3A_473, %dma_start3A_474, %dma_start3A_475] : memref<5x16x1536xf32, #tpu.memory_space<vmem>> -> memref<1x16x1536xf32, #tpu.memory_space<vmem>>
    %dma_start3A_477 = tpu.memref_squeeze %dma_start3A_476 : memref<1x16x1536xf32, #tpu.memory_space<vmem>> -> memref<16x1536xf32, #tpu.memory_space<vmem>>
    %dma_start3A_478 = arith.constant 208 : i32
    %dma_start3A_479 = tpu.memref_slice %arg5[%dma_start3A_478] : memref<256xi32, #tpu.memory_space<vmem>> -> memref<16xi32, #tpu.memory_space<vmem>>
    %dma_start3A_480 = arith.constant 0 : i32
    %dma_start3A_481 = arith.constant 0 : i32
    %dma_start3A_482 = tpu.memref_slice %arg3[%dma_start3A_480, %dma_start3A_481] : memref<57344x1536xf32, #tpu.memory_space<hbm>> -> memref<57344x1536xf32, #tpu.memory_space<hbm>>
    tpu.enqueue_indirect_dma source(%dma_start3A_482 : memref<57344x1536xf32, #tpu.memory_space<hbm>>) target(%dma_start3A_477 : memref<16x1536xf32, #tpu.memory_space<vmem>>) offsets(%dma_start3A_479 : memref<16xi32, #tpu.memory_space<vmem>>) semaphore(%arg10 : memref<!tpu.dma_semaphore, #tpu.memory_space<semaphore_mem>>)
    %dma_wait3A_483 = arith.constant 4 : i32
    %dma_wait3A_484 = arith.constant 0 : i32
    %dma_wait3A_485 = arith.constant 0 : i32
    %dma_wait3A_486 = tpu.memref_slice %arg6[%dma_wait3A_483, %dma_wait3A_484, %dma_wait3A_485] : memref<5x16x1536xf32, #tpu.memory_space<vmem>> -> memref<1x16x1536xf32, #tpu.memory_space<vmem>>
    %dma_wait3A_487 = tpu.memref_squeeze %dma_wait3A_486 : memref<1x16x1536xf32, #tpu.memory_space<vmem>> -> memref<16x1536xf32, #tpu.memory_space<vmem>>
    %dma_wait3A_488 = arith.constant 144 : i32
    %dma_wait3A_489 = tpu.memref_slice %arg5[%dma_wait3A_488] : memref<256xi32, #tpu.memory_space<vmem>> -> memref<16xi32, #tpu.memory_space<vmem>>
    %dma_wait3A_490 = arith.constant 0 : i32
    %dma_wait3A_491 = arith.constant 0 : i32
    %dma_wait3A_492 = tpu.memref_slice %arg3[%dma_wait3A_490, %dma_wait3A_491] : memref<57344x1536xf32, #tpu.memory_space<hbm>> -> memref<57344x1536xf32, #tpu.memory_space<hbm>>
    tpu.wait_indirect_dma semaphore(%arg11 : memref<!tpu.dma_semaphore, #tpu.memory_space<semaphore_mem>>) src(%dma_wait3A_492 : memref<57344x1536xf32, #tpu.memory_space<hbm>>) dst(%dma_wait3A_487 : memref<16x1536xf32, #tpu.memory_space<vmem>>)
    %add3A_493 = arith.constant 144 : i32
    %add3A_494 = arith.addi %mul3A_2, %add3A_493 : i32
    %dma_start3A_495 = arith.constant 4 : i32
    %dma_start3A_496 = arith.constant 0 : i32
    %dma_start3A_497 = arith.constant 0 : i32
    %dma_start3A_498 = tpu.memref_slice %arg6[%dma_start3A_495, %dma_start3A_496, %dma_start3A_497] : memref<5x16x1536xf32, #tpu.memory_space<vmem>> -> memref<1x16x1536xf32, #tpu.memory_space<vmem>>
    %dma_start3A_499 = tpu.memref_squeeze %dma_start3A_498 : memref<1x16x1536xf32, #tpu.memory_space<vmem>> -> memref<16x1536xf32, #tpu.memory_space<vmem>>
    %dma_start3A_500 = arith.constant 0 : i32
    %dma_start3A_501 = tpu.memref_slice %arg4[%add3A_494, %dma_start3A_500] : memref<8192x1536xf32, #tpu.memory_space<hbm>> -> memref<16x1536xf32, #tpu.memory_space<hbm>>
    %dma_start3A_502 = arith.constant 0 : i32
    %dma_start3A_503 = tpu.memref_slice %arg4[%add3A_494, %dma_start3A_502] : memref<8192x1536xf32, #tpu.memory_space<hbm>> -> memref<16x1536xf32, #tpu.memory_space<hbm>>
    %dma_start3A_504 = arith.constant 0 : i32
    %dma_start3A_505 = arith.constant 0 : i32
    %dma_start3A_506 = tpu.memref_slice %arg6[%dma_start3A_495, %dma_start3A_504, %dma_start3A_505] : memref<5x16x1536xf32, #tpu.memory_space<vmem>> -> memref<1x16x1536xf32, #tpu.memory_space<vmem>>
    %dma_start3A_507 = tpu.memref_squeeze %dma_start3A_506 : memref<1x16x1536xf32, #tpu.memory_space<vmem>> -> memref<16x1536xf32, #tpu.memory_space<vmem>>
    tpu.enqueue_dma source(%dma_start3A_507 : memref<16x1536xf32, #tpu.memory_space<vmem>>) target(%dma_start3A_503 : memref<16x1536xf32, #tpu.memory_space<hbm>>) target_semaphore(%arg16 : memref<!tpu.dma_semaphore, #tpu.memory_space<semaphore_mem>>)
    %dma_wait3A_508 = arith.constant 4 : i32
    %dma_wait3A_509 = arith.constant 0 : i32
    %dma_wait3A_510 = arith.constant 0 : i32
    %dma_wait3A_511 = tpu.memref_slice %arg6[%dma_wait3A_508, %dma_wait3A_509, %dma_wait3A_510] : memref<5x16x1536xf32, #tpu.memory_space<vmem>> -> memref<1x16x1536xf32, #tpu.memory_space<vmem>>
    %dma_wait3A_512 = tpu.memref_squeeze %dma_wait3A_511 : memref<1x16x1536xf32, #tpu.memory_space<vmem>> -> memref<16x1536xf32, #tpu.memory_space<vmem>>
    %dma_wait3A_513 = arith.constant 0 : i32
    %dma_wait3A_514 = tpu.memref_slice %arg4[%add3A_494, %dma_wait3A_513] : memref<8192x1536xf32, #tpu.memory_space<hbm>> -> memref<16x1536xf32, #tpu.memory_space<hbm>>
    %dma_wait3A_515 = arith.constant 0 : i32
    %dma_wait3A_516 = tpu.memref_slice %arg4[%add3A_494, %dma_wait3A_515] : memref<8192x1536xf32, #tpu.memory_space<hbm>> -> memref<16x1536xf32, #tpu.memory_space<hbm>>
    %dma_wait3A_517 = arith.constant 0 : i32
    %dma_wait3A_518 = arith.constant 0 : i32
    %dma_wait3A_519 = tpu.memref_slice %arg6[%dma_wait3A_508, %dma_wait3A_517, %dma_wait3A_518] : memref<5x16x1536xf32, #tpu.memory_space<vmem>> -> memref<1x16x1536xf32, #tpu.memory_space<vmem>>
    %dma_wait3A_520 = tpu.memref_squeeze %dma_wait3A_519 : memref<1x16x1536xf32, #tpu.memory_space<vmem>> -> memref<16x1536xf32, #tpu.memory_space<vmem>>
    tpu.wait_dma2 semaphore(%arg16 : memref<!tpu.dma_semaphore, #tpu.memory_space<semaphore_mem>>) src(%dma_wait3A_520 : memref<16x1536xf32, #tpu.memory_space<vmem>>) dst(%dma_wait3A_516 : memref<16x1536xf32, #tpu.memory_space<hbm>>)
    %dma_start3A_521 = arith.constant 4 : i32
    %dma_start3A_522 = arith.constant 0 : i32
    %dma_start3A_523 = arith.constant 0 : i32
    %dma_start3A_524 = tpu.memref_slice %arg6[%dma_start3A_521, %dma_start3A_522, %dma_start3A_523] : memref<5x16x1536xf32, #tpu.memory_space<vmem>> -> memref<1x16x1536xf32, #tpu.memory_space<vmem>>
    %dma_start3A_525 = tpu.memref_squeeze %dma_start3A_524 : memref<1x16x1536xf32, #tpu.memory_space<vmem>> -> memref<16x1536xf32, #tpu.memory_space<vmem>>
    %dma_start3A_526 = arith.constant 224 : i32
    %dma_start3A_527 = tpu.memref_slice %arg5[%dma_start3A_526] : memref<256xi32, #tpu.memory_space<vmem>> -> memref<16xi32, #tpu.memory_space<vmem>>
    %dma_start3A_528 = arith.constant 0 : i32
    %dma_start3A_529 = arith.constant 0 : i32
    %dma_start3A_530 = tpu.memref_slice %arg3[%dma_start3A_528, %dma_start3A_529] : memref<57344x1536xf32, #tpu.memory_space<hbm>> -> memref<57344x1536xf32, #tpu.memory_space<hbm>>
    tpu.enqueue_indirect_dma source(%dma_start3A_530 : memref<57344x1536xf32, #tpu.memory_space<hbm>>) target(%dma_start3A_525 : memref<16x1536xf32, #tpu.memory_space<vmem>>) offsets(%dma_start3A_527 : memref<16xi32, #tpu.memory_space<vmem>>) semaphore(%arg11 : memref<!tpu.dma_semaphore, #tpu.memory_space<semaphore_mem>>)
    %dma_wait3A_531 = arith.constant 0 : i32
    %dma_wait3A_532 = arith.constant 0 : i32
    %dma_wait3A_533 = arith.constant 0 : i32
    %dma_wait3A_534 = tpu.memref_slice %arg6[%dma_wait3A_531, %dma_wait3A_532, %dma_wait3A_533] : memref<5x16x1536xf32, #tpu.memory_space<vmem>> -> memref<1x16x1536xf32, #tpu.memory_space<vmem>>
    %dma_wait3A_535 = tpu.memref_squeeze %dma_wait3A_534 : memref<1x16x1536xf32, #tpu.memory_space<vmem>> -> memref<16x1536xf32, #tpu.memory_space<vmem>>
    %dma_wait3A_536 = arith.constant 160 : i32
    %dma_wait3A_537 = tpu.memref_slice %arg5[%dma_wait3A_536] : memref<256xi32, #tpu.memory_space<vmem>> -> memref<16xi32, #tpu.memory_space<vmem>>
    %dma_wait3A_538 = arith.constant 0 : i32
    %dma_wait3A_539 = arith.constant 0 : i32
    %dma_wait3A_540 = tpu.memref_slice %arg3[%dma_wait3A_538, %dma_wait3A_539] : memref<57344x1536xf32, #tpu.memory_space<hbm>> -> memref<57344x1536xf32, #tpu.memory_space<hbm>>
    tpu.wait_indirect_dma semaphore(%arg7 : memref<!tpu.dma_semaphore, #tpu.memory_space<semaphore_mem>>) src(%dma_wait3A_540 : memref<57344x1536xf32, #tpu.memory_space<hbm>>) dst(%dma_wait3A_535 : memref<16x1536xf32, #tpu.memory_space<vmem>>)
    %add3A_541 = arith.constant 160 : i32
    %add3A_542 = arith.addi %mul3A_2, %add3A_541 : i32
    %dma_start3A_543 = arith.constant 0 : i32
    %dma_start3A_544 = arith.constant 0 : i32
    %dma_start3A_545 = arith.constant 0 : i32
    %dma_start3A_546 = tpu.memref_slice %arg6[%dma_start3A_543, %dma_start3A_544, %dma_start3A_545] : memref<5x16x1536xf32, #tpu.memory_space<vmem>> -> memref<1x16x1536xf32, #tpu.memory_space<vmem>>
    %dma_start3A_547 = tpu.memref_squeeze %dma_start3A_546 : memref<1x16x1536xf32, #tpu.memory_space<vmem>> -> memref<16x1536xf32, #tpu.memory_space<vmem>>
    %dma_start3A_548 = arith.constant 0 : i32
    %dma_start3A_549 = tpu.memref_slice %arg4[%add3A_542, %dma_start3A_548] : memref<8192x1536xf32, #tpu.memory_space<hbm>> -> memref<16x1536xf32, #tpu.memory_space<hbm>>
    %dma_start3A_550 = arith.constant 0 : i32
    %dma_start3A_551 = tpu.memref_slice %arg4[%add3A_542, %dma_start3A_550] : memref<8192x1536xf32, #tpu.memory_space<hbm>> -> memref<16x1536xf32, #tpu.memory_space<hbm>>
    %dma_start3A_552 = arith.constant 0 : i32
    %dma_start3A_553 = arith.constant 0 : i32
    %dma_start3A_554 = tpu.memref_slice %arg6[%dma_start3A_543, %dma_start3A_552, %dma_start3A_553] : memref<5x16x1536xf32, #tpu.memory_space<vmem>> -> memref<1x16x1536xf32, #tpu.memory_space<vmem>>
    %dma_start3A_555 = tpu.memref_squeeze %dma_start3A_554 : memref<1x16x1536xf32, #tpu.memory_space<vmem>> -> memref<16x1536xf32, #tpu.memory_space<vmem>>
    tpu.enqueue_dma source(%dma_start3A_555 : memref<16x1536xf32, #tpu.memory_space<vmem>>) target(%dma_start3A_551 : memref<16x1536xf32, #tpu.memory_space<hbm>>) target_semaphore(%arg12 : memref<!tpu.dma_semaphore, #tpu.memory_space<semaphore_mem>>)
    %dma_wait3A_556 = arith.constant 0 : i32
    %dma_wait3A_557 = arith.constant 0 : i32
    %dma_wait3A_558 = arith.constant 0 : i32
    %dma_wait3A_559 = tpu.memref_slice %arg6[%dma_wait3A_556, %dma_wait3A_557, %dma_wait3A_558] : memref<5x16x1536xf32, #tpu.memory_space<vmem>> -> memref<1x16x1536xf32, #tpu.memory_space<vmem>>
    %dma_wait3A_560 = tpu.memref_squeeze %dma_wait3A_559 : memref<1x16x1536xf32, #tpu.memory_space<vmem>> -> memref<16x1536xf32, #tpu.memory_space<vmem>>
    %dma_wait3A_561 = arith.constant 0 : i32
    %dma_wait3A_562 = tpu.memref_slice %arg4[%add3A_542, %dma_wait3A_561] : memref<8192x1536xf32, #tpu.memory_space<hbm>> -> memref<16x1536xf32, #tpu.memory_space<hbm>>
    %dma_wait3A_563 = arith.constant 0 : i32
    %dma_wait3A_564 = tpu.memref_slice %arg4[%add3A_542, %dma_wait3A_563] : memref<8192x1536xf32, #tpu.memory_space<hbm>> -> memref<16x1536xf32, #tpu.memory_space<hbm>>
    %dma_wait3A_565 = arith.constant 0 : i32
    %dma_wait3A_566 = arith.constant 0 : i32
    %dma_wait3A_567 = tpu.memref_slice %arg6[%dma_wait3A_556, %dma_wait3A_565, %dma_wait3A_566] : memref<5x16x1536xf32, #tpu.memory_space<vmem>> -> memref<1x16x1536xf32, #tpu.memory_space<vmem>>
    %dma_wait3A_568 = tpu.memref_squeeze %dma_wait3A_567 : memref<1x16x1536xf32, #tpu.memory_space<vmem>> -> memref<16x1536xf32, #tpu.memory_space<vmem>>
    tpu.wait_dma2 semaphore(%arg12 : memref<!tpu.dma_semaphore, #tpu.memory_space<semaphore_mem>>) src(%dma_wait3A_568 : memref<16x1536xf32, #tpu.memory_space<vmem>>) dst(%dma_wait3A_564 : memref<16x1536xf32, #tpu.memory_space<hbm>>)
    %dma_start3A_569 = arith.constant 0 : i32
    %dma_start3A_570 = arith.constant 0 : i32
    %dma_start3A_571 = arith.constant 0 : i32
    %dma_start3A_572 = tpu.memref_slice %arg6[%dma_start3A_569, %dma_start3A_570, %dma_start3A_571] : memref<5x16x1536xf32, #tpu.memory_space<vmem>> -> memref<1x16x1536xf32, #tpu.memory_space<vmem>>
    %dma_start3A_573 = tpu.memref_squeeze %dma_start3A_572 : memref<1x16x1536xf32, #tpu.memory_space<vmem>> -> memref<16x1536xf32, #tpu.memory_space<vmem>>
    %dma_start3A_574 = arith.constant 240 : i32
    %dma_start3A_575 = tpu.memref_slice %arg5[%dma_start3A_574] : memref<256xi32, #tpu.memory_space<vmem>> -> memref<16xi32, #tpu.memory_space<vmem>>
    %dma_start3A_576 = arith.constant 0 : i32
    %dma_start3A_577 = arith.constant 0 : i32
    %dma_start3A_578 = tpu.memref_slice %arg3[%dma_start3A_576, %dma_start3A_577] : memref<57344x1536xf32, #tpu.memory_space<hbm>> -> memref<57344x1536xf32, #tpu.memory_space<hbm>>
    tpu.enqueue_indirect_dma source(%dma_start3A_578 : memref<57344x1536xf32, #tpu.memory_space<hbm>>) target(%dma_start3A_573 : memref<16x1536xf32, #tpu.memory_space<vmem>>) offsets(%dma_start3A_575 : memref<16xi32, #tpu.memory_space<vmem>>) semaphore(%arg7 : memref<!tpu.dma_semaphore, #tpu.memory_space<semaphore_mem>>)
    %dma_wait3A_579 = arith.constant 1 : i32
    %dma_wait3A_580 = arith.constant 0 : i32
    %dma_wait3A_581 = arith.constant 0 : i32
    %dma_wait3A_582 = tpu.memref_slice %arg6[%dma_wait3A_579, %dma_wait3A_580, %dma_wait3A_581] : memref<5x16x1536xf32, #tpu.memory_space<vmem>> -> memref<1x16x1536xf32, #tpu.memory_space<vmem>>
    %dma_wait3A_583 = tpu.memref_squeeze %dma_wait3A_582 : memref<1x16x1536xf32, #tpu.memory_space<vmem>> -> memref<16x1536xf32, #tpu.memory_space<vmem>>
    %dma_wait3A_584 = arith.constant 176 : i32
    %dma_wait3A_585 = tpu.memref_slice %arg5[%dma_wait3A_584] : memref<256xi32, #tpu.memory_space<vmem>> -> memref<16xi32, #tpu.memory_space<vmem>>
    %dma_wait3A_586 = arith.constant 0 : i32
    %dma_wait3A_587 = arith.constant 0 : i32
    %dma_wait3A_588 = tpu.memref_slice %arg3[%dma_wait3A_586, %dma_wait3A_587] : memref<57344x1536xf32, #tpu.memory_space<hbm>> -> memref<57344x1536xf32, #tpu.memory_space<hbm>>
    tpu.wait_indirect_dma semaphore(%arg8 : memref<!tpu.dma_semaphore, #tpu.memory_space<semaphore_mem>>) src(%dma_wait3A_588 : memref<57344x1536xf32, #tpu.memory_space<hbm>>) dst(%dma_wait3A_583 : memref<16x1536xf32, #tpu.memory_space<vmem>>)
    %add3A_589 = arith.constant 176 : i32
    %add3A_590 = arith.addi %mul3A_2, %add3A_589 : i32
    %dma_start3A_591 = arith.constant 1 : i32
    %dma_start3A_592 = arith.constant 0 : i32
    %dma_start3A_593 = arith.constant 0 : i32
    %dma_start3A_594 = tpu.memref_slice %arg6[%dma_start3A_591, %dma_start3A_592, %dma_start3A_593] : memref<5x16x1536xf32, #tpu.memory_space<vmem>> -> memref<1x16x1536xf32, #tpu.memory_space<vmem>>
    %dma_start3A_595 = tpu.memref_squeeze %dma_start3A_594 : memref<1x16x1536xf32, #tpu.memory_space<vmem>> -> memref<16x1536xf32, #tpu.memory_space<vmem>>
    %dma_start3A_596 = arith.constant 0 : i32
    %dma_start3A_597 = tpu.memref_slice %arg4[%add3A_590, %dma_start3A_596] : memref<8192x1536xf32, #tpu.memory_space<hbm>> -> memref<16x1536xf32, #tpu.memory_space<hbm>>
    %dma_start3A_598 = arith.constant 0 : i32
    %dma_start3A_599 = tpu.memref_slice %arg4[%add3A_590, %dma_start3A_598] : memref<8192x1536xf32, #tpu.memory_space<hbm>> -> memref<16x1536xf32, #tpu.memory_space<hbm>>
    %dma_start3A_600 = arith.constant 0 : i32
    %dma_start3A_601 = arith.constant 0 : i32
    %dma_start3A_602 = tpu.memref_slice %arg6[%dma_start3A_591, %dma_start3A_600, %dma_start3A_601] : memref<5x16x1536xf32, #tpu.memory_space<vmem>> -> memref<1x16x1536xf32, #tpu.memory_space<vmem>>
    %dma_start3A_603 = tpu.memref_squeeze %dma_start3A_602 : memref<1x16x1536xf32, #tpu.memory_space<vmem>> -> memref<16x1536xf32, #tpu.memory_space<vmem>>
    tpu.enqueue_dma source(%dma_start3A_603 : memref<16x1536xf32, #tpu.memory_space<vmem>>) target(%dma_start3A_599 : memref<16x1536xf32, #tpu.memory_space<hbm>>) target_semaphore(%arg13 : memref<!tpu.dma_semaphore, #tpu.memory_space<semaphore_mem>>)
    %dma_wait3A_604 = arith.constant 2 : i32
    %dma_wait3A_605 = arith.constant 0 : i32
    %dma_wait3A_606 = arith.constant 0 : i32
    %dma_wait3A_607 = tpu.memref_slice %arg6[%dma_wait3A_604, %dma_wait3A_605, %dma_wait3A_606] : memref<5x16x1536xf32, #tpu.memory_space<vmem>> -> memref<1x16x1536xf32, #tpu.memory_space<vmem>>
    %dma_wait3A_608 = tpu.memref_squeeze %dma_wait3A_607 : memref<1x16x1536xf32, #tpu.memory_space<vmem>> -> memref<16x1536xf32, #tpu.memory_space<vmem>>
    %dma_wait3A_609 = arith.constant 192 : i32
    %dma_wait3A_610 = tpu.memref_slice %arg5[%dma_wait3A_609] : memref<256xi32, #tpu.memory_space<vmem>> -> memref<16xi32, #tpu.memory_space<vmem>>
    %dma_wait3A_611 = arith.constant 0 : i32
    %dma_wait3A_612 = arith.constant 0 : i32
    %dma_wait3A_613 = tpu.memref_slice %arg3[%dma_wait3A_611, %dma_wait3A_612] : memref<57344x1536xf32, #tpu.memory_space<hbm>> -> memref<57344x1536xf32, #tpu.memory_space<hbm>>
    tpu.wait_indirect_dma semaphore(%arg9 : memref<!tpu.dma_semaphore, #tpu.memory_space<semaphore_mem>>) src(%dma_wait3A_613 : memref<57344x1536xf32, #tpu.memory_space<hbm>>) dst(%dma_wait3A_608 : memref<16x1536xf32, #tpu.memory_space<vmem>>)
    %add3A_614 = arith.constant 192 : i32
    %add3A_615 = arith.addi %mul3A_2, %add3A_614 : i32
    %dma_start3A_616 = arith.constant 2 : i32
    %dma_start3A_617 = arith.constant 0 : i32
    %dma_start3A_618 = arith.constant 0 : i32
    %dma_start3A_619 = tpu.memref_slice %arg6[%dma_start3A_616, %dma_start3A_617, %dma_start3A_618] : memref<5x16x1536xf32, #tpu.memory_space<vmem>> -> memref<1x16x1536xf32, #tpu.memory_space<vmem>>
    %dma_start3A_620 = tpu.memref_squeeze %dma_start3A_619 : memref<1x16x1536xf32, #tpu.memory_space<vmem>> -> memref<16x1536xf32, #tpu.memory_space<vmem>>
    %dma_start3A_621 = arith.constant 0 : i32
    %dma_start3A_622 = tpu.memref_slice %arg4[%add3A_615, %dma_start3A_621] : memref<8192x1536xf32, #tpu.memory_space<hbm>> -> memref<16x1536xf32, #tpu.memory_space<hbm>>
    %dma_start3A_623 = arith.constant 0 : i32
    %dma_start3A_624 = tpu.memref_slice %arg4[%add3A_615, %dma_start3A_623] : memref<8192x1536xf32, #tpu.memory_space<hbm>> -> memref<16x1536xf32, #tpu.memory_space<hbm>>
    %dma_start3A_625 = arith.constant 0 : i32
    %dma_start3A_626 = arith.constant 0 : i32
    %dma_start3A_627 = tpu.memref_slice %arg6[%dma_start3A_616, %dma_start3A_625, %dma_start3A_626] : memref<5x16x1536xf32, #tpu.memory_space<vmem>> -> memref<1x16x1536xf32, #tpu.memory_space<vmem>>
    %dma_start3A_628 = tpu.memref_squeeze %dma_start3A_627 : memref<1x16x1536xf32, #tpu.memory_space<vmem>> -> memref<16x1536xf32, #tpu.memory_space<vmem>>
    tpu.enqueue_dma source(%dma_start3A_628 : memref<16x1536xf32, #tpu.memory_space<vmem>>) target(%dma_start3A_624 : memref<16x1536xf32, #tpu.memory_space<hbm>>) target_semaphore(%arg14 : memref<!tpu.dma_semaphore, #tpu.memory_space<semaphore_mem>>)
    %dma_wait3A_629 = arith.constant 3 : i32
    %dma_wait3A_630 = arith.constant 0 : i32
    %dma_wait3A_631 = arith.constant 0 : i32
    %dma_wait3A_632 = tpu.memref_slice %arg6[%dma_wait3A_629, %dma_wait3A_630, %dma_wait3A_631] : memref<5x16x1536xf32, #tpu.memory_space<vmem>> -> memref<1x16x1536xf32, #tpu.memory_space<vmem>>
    %dma_wait3A_633 = tpu.memref_squeeze %dma_wait3A_632 : memref<1x16x1536xf32, #tpu.memory_space<vmem>> -> memref<16x1536xf32, #tpu.memory_space<vmem>>
    %dma_wait3A_634 = arith.constant 208 : i32
    %dma_wait3A_635 = tpu.memref_slice %arg5[%dma_wait3A_634] : memref<256xi32, #tpu.memory_space<vmem>> -> memref<16xi32, #tpu.memory_space<vmem>>
    %dma_wait3A_636 = arith.constant 0 : i32
    %dma_wait3A_637 = arith.constant 0 : i32
    %dma_wait3A_638 = tpu.memref_slice %arg3[%dma_wait3A_636, %dma_wait3A_637] : memref<57344x1536xf32, #tpu.memory_space<hbm>> -> memref<57344x1536xf32, #tpu.memory_space<hbm>>
    tpu.wait_indirect_dma semaphore(%arg10 : memref<!tpu.dma_semaphore, #tpu.memory_space<semaphore_mem>>) src(%dma_wait3A_638 : memref<57344x1536xf32, #tpu.memory_space<hbm>>) dst(%dma_wait3A_633 : memref<16x1536xf32, #tpu.memory_space<vmem>>)
    %add3A_639 = arith.constant 208 : i32
    %add3A_640 = arith.addi %mul3A_2, %add3A_639 : i32
    %dma_start3A_641 = arith.constant 3 : i32
    %dma_start3A_642 = arith.constant 0 : i32
    %dma_start3A_643 = arith.constant 0 : i32
    %dma_start3A_644 = tpu.memref_slice %arg6[%dma_start3A_641, %dma_start3A_642, %dma_start3A_643] : memref<5x16x1536xf32, #tpu.memory_space<vmem>> -> memref<1x16x1536xf32, #tpu.memory_space<vmem>>
    %dma_start3A_645 = tpu.memref_squeeze %dma_start3A_644 : memref<1x16x1536xf32, #tpu.memory_space<vmem>> -> memref<16x1536xf32, #tpu.memory_space<vmem>>
    %dma_start3A_646 = arith.constant 0 : i32
    %dma_start3A_647 = tpu.memref_slice %arg4[%add3A_640, %dma_start3A_646] : memref<8192x1536xf32, #tpu.memory_space<hbm>> -> memref<16x1536xf32, #tpu.memory_space<hbm>>
    %dma_start3A_648 = arith.constant 0 : i32
    %dma_start3A_649 = tpu.memref_slice %arg4[%add3A_640, %dma_start3A_648] : memref<8192x1536xf32, #tpu.memory_space<hbm>> -> memref<16x1536xf32, #tpu.memory_space<hbm>>
    %dma_start3A_650 = arith.constant 0 : i32
    %dma_start3A_651 = arith.constant 0 : i32
    %dma_start3A_652 = tpu.memref_slice %arg6[%dma_start3A_641, %dma_start3A_650, %dma_start3A_651] : memref<5x16x1536xf32, #tpu.memory_space<vmem>> -> memref<1x16x1536xf32, #tpu.memory_space<vmem>>
    %dma_start3A_653 = tpu.memref_squeeze %dma_start3A_652 : memref<1x16x1536xf32, #tpu.memory_space<vmem>> -> memref<16x1536xf32, #tpu.memory_space<vmem>>
    tpu.enqueue_dma source(%dma_start3A_653 : memref<16x1536xf32, #tpu.memory_space<vmem>>) target(%dma_start3A_649 : memref<16x1536xf32, #tpu.memory_space<hbm>>) target_semaphore(%arg15 : memref<!tpu.dma_semaphore, #tpu.memory_space<semaphore_mem>>)
    %dma_wait3A_654 = arith.constant 4 : i32
    %dma_wait3A_655 = arith.constant 0 : i32
    %dma_wait3A_656 = arith.constant 0 : i32
    %dma_wait3A_657 = tpu.memref_slice %arg6[%dma_wait3A_654, %dma_wait3A_655, %dma_wait3A_656] : memref<5x16x1536xf32, #tpu.memory_space<vmem>> -> memref<1x16x1536xf32, #tpu.memory_space<vmem>>
    %dma_wait3A_658 = tpu.memref_squeeze %dma_wait3A_657 : memref<1x16x1536xf32, #tpu.memory_space<vmem>> -> memref<16x1536xf32, #tpu.memory_space<vmem>>
    %dma_wait3A_659 = arith.constant 224 : i32
    %dma_wait3A_660 = tpu.memref_slice %arg5[%dma_wait3A_659] : memref<256xi32, #tpu.memory_space<vmem>> -> memref<16xi32, #tpu.memory_space<vmem>>
    %dma_wait3A_661 = arith.constant 0 : i32
    %dma_wait3A_662 = arith.constant 0 : i32
    %dma_wait3A_663 = tpu.memref_slice %arg3[%dma_wait3A_661, %dma_wait3A_662] : memref<57344x1536xf32, #tpu.memory_space<hbm>> -> memref<57344x1536xf32, #tpu.memory_space<hbm>>
    tpu.wait_indirect_dma semaphore(%arg11 : memref<!tpu.dma_semaphore, #tpu.memory_space<semaphore_mem>>) src(%dma_wait3A_663 : memref<57344x1536xf32, #tpu.memory_space<hbm>>) dst(%dma_wait3A_658 : memref<16x1536xf32, #tpu.memory_space<vmem>>)
    %add3A_664 = arith.constant 224 : i32
    %add3A_665 = arith.addi %mul3A_2, %add3A_664 : i32
    %dma_start3A_666 = arith.constant 4 : i32
    %dma_start3A_667 = arith.constant 0 : i32
    %dma_start3A_668 = arith.constant 0 : i32
    %dma_start3A_669 = tpu.memref_slice %arg6[%dma_start3A_666, %dma_start3A_667, %dma_start3A_668] : memref<5x16x1536xf32, #tpu.memory_space<vmem>> -> memref<1x16x1536xf32, #tpu.memory_space<vmem>>
    %dma_start3A_670 = tpu.memref_squeeze %dma_start3A_669 : memref<1x16x1536xf32, #tpu.memory_space<vmem>> -> memref<16x1536xf32, #tpu.memory_space<vmem>>
    %dma_start3A_671 = arith.constant 0 : i32
    %dma_start3A_672 = tpu.memref_slice %arg4[%add3A_665, %dma_start3A_671] : memref<8192x1536xf32, #tpu.memory_space<hbm>> -> memref<16x1536xf32, #tpu.memory_space<hbm>>
    %dma_start3A_673 = arith.constant 0 : i32
    %dma_start3A_674 = tpu.memref_slice %arg4[%add3A_665, %dma_start3A_673] : memref<8192x1536xf32, #tpu.memory_space<hbm>> -> memref<16x1536xf32, #tpu.memory_space<hbm>>
    %dma_start3A_675 = arith.constant 0 : i32
    %dma_start3A_676 = arith.constant 0 : i32
    %dma_start3A_677 = tpu.memref_slice %arg6[%dma_start3A_666, %dma_start3A_675, %dma_start3A_676] : memref<5x16x1536xf32, #tpu.memory_space<vmem>> -> memref<1x16x1536xf32, #tpu.memory_space<vmem>>
    %dma_start3A_678 = tpu.memref_squeeze %dma_start3A_677 : memref<1x16x1536xf32, #tpu.memory_space<vmem>> -> memref<16x1536xf32, #tpu.memory_space<vmem>>
    tpu.enqueue_dma source(%dma_start3A_678 : memref<16x1536xf32, #tpu.memory_space<vmem>>) target(%dma_start3A_674 : memref<16x1536xf32, #tpu.memory_space<hbm>>) target_semaphore(%arg16 : memref<!tpu.dma_semaphore, #tpu.memory_space<semaphore_mem>>)
    %dma_wait3A_679 = arith.constant 0 : i32
    %dma_wait3A_680 = arith.constant 0 : i32
    %dma_wait3A_681 = arith.constant 0 : i32
    %dma_wait3A_682 = tpu.memref_slice %arg6[%dma_wait3A_679, %dma_wait3A_680, %dma_wait3A_681] : memref<5x16x1536xf32, #tpu.memory_space<vmem>> -> memref<1x16x1536xf32, #tpu.memory_space<vmem>>
    %dma_wait3A_683 = tpu.memref_squeeze %dma_wait3A_682 : memref<1x16x1536xf32, #tpu.memory_space<vmem>> -> memref<16x1536xf32, #tpu.memory_space<vmem>>
    %dma_wait3A_684 = arith.constant 240 : i32
    %dma_wait3A_685 = tpu.memref_slice %arg5[%dma_wait3A_684] : memref<256xi32, #tpu.memory_space<vmem>> -> memref<16xi32, #tpu.memory_space<vmem>>
    %dma_wait3A_686 = arith.constant 0 : i32
    %dma_wait3A_687 = arith.constant 0 : i32
    %dma_wait3A_688 = tpu.memref_slice %arg3[%dma_wait3A_686, %dma_wait3A_687] : memref<57344x1536xf32, #tpu.memory_space<hbm>> -> memref<57344x1536xf32, #tpu.memory_space<hbm>>
    tpu.wait_indirect_dma semaphore(%arg7 : memref<!tpu.dma_semaphore, #tpu.memory_space<semaphore_mem>>) src(%dma_wait3A_688 : memref<57344x1536xf32, #tpu.memory_space<hbm>>) dst(%dma_wait3A_683 : memref<16x1536xf32, #tpu.memory_space<vmem>>)
    %add3A_689 = arith.constant 240 : i32
    %add3A_690 = arith.addi %mul3A_2, %add3A_689 : i32
    %dma_start3A_691 = arith.constant 0 : i32
    %dma_start3A_692 = arith.constant 0 : i32
    %dma_start3A_693 = arith.constant 0 : i32
    %dma_start3A_694 = tpu.memref_slice %arg6[%dma_start3A_691, %dma_start3A_692, %dma_start3A_693] : memref<5x16x1536xf32, #tpu.memory_space<vmem>> -> memref<1x16x1536xf32, #tpu.memory_space<vmem>>
    %dma_start3A_695 = tpu.memref_squeeze %dma_start3A_694 : memref<1x16x1536xf32, #tpu.memory_space<vmem>> -> memref<16x1536xf32, #tpu.memory_space<vmem>>
    %dma_start3A_696 = arith.constant 0 : i32
    %dma_start3A_697 = tpu.memref_slice %arg4[%add3A_690, %dma_start3A_696] : memref<8192x1536xf32, #tpu.memory_space<hbm>> -> memref<16x1536xf32, #tpu.memory_space<hbm>>
    %dma_start3A_698 = arith.constant 0 : i32
    %dma_start3A_699 = tpu.memref_slice %arg4[%add3A_690, %dma_start3A_698] : memref<8192x1536xf32, #tpu.memory_space<hbm>> -> memref<16x1536xf32, #tpu.memory_space<hbm>>
    %dma_start3A_700 = arith.constant 0 : i32
    %dma_start3A_701 = arith.constant 0 : i32
    %dma_start3A_702 = tpu.memref_slice %arg6[%dma_start3A_691, %dma_start3A_700, %dma_start3A_701] : memref<5x16x1536xf32, #tpu.memory_space<vmem>> -> memref<1x16x1536xf32, #tpu.memory_space<vmem>>
    %dma_start3A_703 = tpu.memref_squeeze %dma_start3A_702 : memref<1x16x1536xf32, #tpu.memory_space<vmem>> -> memref<16x1536xf32, #tpu.memory_space<vmem>>
    tpu.enqueue_dma source(%dma_start3A_703 : memref<16x1536xf32, #tpu.memory_space<vmem>>) target(%dma_start3A_699 : memref<16x1536xf32, #tpu.memory_space<hbm>>) target_semaphore(%arg12 : memref<!tpu.dma_semaphore, #tpu.memory_space<semaphore_mem>>)
    %dma_wait3A_704 = arith.constant 1 : i32
    %dma_wait3A_705 = arith.constant 0 : i32
    %dma_wait3A_706 = arith.constant 0 : i32
    %dma_wait3A_707 = tpu.memref_slice %arg6[%dma_wait3A_704, %dma_wait3A_705, %dma_wait3A_706] : memref<5x16x1536xf32, #tpu.memory_space<vmem>> -> memref<1x16x1536xf32, #tpu.memory_space<vmem>>
    %dma_wait3A_708 = tpu.memref_squeeze %dma_wait3A_707 : memref<1x16x1536xf32, #tpu.memory_space<vmem>> -> memref<16x1536xf32, #tpu.memory_space<vmem>>
    %dma_wait3A_709 = arith.constant 0 : i32
    %dma_wait3A_710 = tpu.memref_slice %arg4[%add3A_590, %dma_wait3A_709] : memref<8192x1536xf32, #tpu.memory_space<hbm>> -> memref<16x1536xf32, #tpu.memory_space<hbm>>
    %dma_wait3A_711 = arith.constant 0 : i32
    %dma_wait3A_712 = tpu.memref_slice %arg4[%add3A_590, %dma_wait3A_711] : memref<8192x1536xf32, #tpu.memory_space<hbm>> -> memref<16x1536xf32, #tpu.memory_space<hbm>>
    %dma_wait3A_713 = arith.constant 0 : i32
    %dma_wait3A_714 = arith.constant 0 : i32
    %dma_wait3A_715 = tpu.memref_slice %arg6[%dma_wait3A_704, %dma_wait3A_713, %dma_wait3A_714] : memref<5x16x1536xf32, #tpu.memory_space<vmem>> -> memref<1x16x1536xf32, #tpu.memory_space<vmem>>
    %dma_wait3A_716 = tpu.memref_squeeze %dma_wait3A_715 : memref<1x16x1536xf32, #tpu.memory_space<vmem>> -> memref<16x1536xf32, #tpu.memory_space<vmem>>
    tpu.wait_dma2 semaphore(%arg13 : memref<!tpu.dma_semaphore, #tpu.memory_space<semaphore_mem>>) src(%dma_wait3A_716 : memref<16x1536xf32, #tpu.memory_space<vmem>>) dst(%dma_wait3A_712 : memref<16x1536xf32, #tpu.memory_space<hbm>>)
    %dma_wait3A_717 = arith.constant 2 : i32
    %dma_wait3A_718 = arith.constant 0 : i32
    %dma_wait3A_719 = arith.constant 0 : i32
    %dma_wait3A_720 = tpu.memref_slice %arg6[%dma_wait3A_717, %dma_wait3A_718, %dma_wait3A_719] : memref<5x16x1536xf32, #tpu.memory_space<vmem>> -> memref<1x16x1536xf32, #tpu.memory_space<vmem>>
    %dma_wait3A_721 = tpu.memref_squeeze %dma_wait3A_720 : memref<1x16x1536xf32, #tpu.memory_space<vmem>> -> memref<16x1536xf32, #tpu.memory_space<vmem>>
    %dma_wait3A_722 = arith.constant 0 : i32
    %dma_wait3A_723 = tpu.memref_slice %arg4[%add3A_615, %dma_wait3A_722] : memref<8192x1536xf32, #tpu.memory_space<hbm>> -> memref<16x1536xf32, #tpu.memory_space<hbm>>
    %dma_wait3A_724 = arith.constant 0 : i32
    %dma_wait3A_725 = tpu.memref_slice %arg4[%add3A_615, %dma_wait3A_724] : memref<8192x1536xf32, #tpu.memory_space<hbm>> -> memref<16x1536xf32, #tpu.memory_space<hbm>>
    %dma_wait3A_726 = arith.constant 0 : i32
    %dma_wait3A_727 = arith.constant 0 : i32
    %dma_wait3A_728 = tpu.memref_slice %arg6[%dma_wait3A_717, %dma_wait3A_726, %dma_wait3A_727] : memref<5x16x1536xf32, #tpu.memory_space<vmem>> -> memref<1x16x1536xf32, #tpu.memory_space<vmem>>
    %dma_wait3A_729 = tpu.memref_squeeze %dma_wait3A_728 : memref<1x16x1536xf32, #tpu.memory_space<vmem>> -> memref<16x1536xf32, #tpu.memory_space<vmem>>
    tpu.wait_dma2 semaphore(%arg14 : memref<!tpu.dma_semaphore, #tpu.memory_space<semaphore_mem>>) src(%dma_wait3A_729 : memref<16x1536xf32, #tpu.memory_space<vmem>>) dst(%dma_wait3A_725 : memref<16x1536xf32, #tpu.memory_space<hbm>>)
    %dma_wait3A_730 = arith.constant 3 : i32
    %dma_wait3A_731 = arith.constant 0 : i32
    %dma_wait3A_732 = arith.constant 0 : i32
    %dma_wait3A_733 = tpu.memref_slice %arg6[%dma_wait3A_730, %dma_wait3A_731, %dma_wait3A_732] : memref<5x16x1536xf32, #tpu.memory_space<vmem>> -> memref<1x16x1536xf32, #tpu.memory_space<vmem>>
    %dma_wait3A_734 = tpu.memref_squeeze %dma_wait3A_733 : memref<1x16x1536xf32, #tpu.memory_space<vmem>> -> memref<16x1536xf32, #tpu.memory_space<vmem>>
    %dma_wait3A_735 = arith.constant 0 : i32
    %dma_wait3A_736 = tpu.memref_slice %arg4[%add3A_640, %dma_wait3A_735] : memref<8192x1536xf32, #tpu.memory_space<hbm>> -> memref<16x1536xf32, #tpu.memory_space<hbm>>
    %dma_wait3A_737 = arith.constant 0 : i32
    %dma_wait3A_738 = tpu.memref_slice %arg4[%add3A_640, %dma_wait3A_737] : memref<8192x1536xf32, #tpu.memory_space<hbm>> -> memref<16x1536xf32, #tpu.memory_space<hbm>>
    %dma_wait3A_739 = arith.constant 0 : i32
    %dma_wait3A_740 = arith.constant 0 : i32
    %dma_wait3A_741 = tpu.memref_slice %arg6[%dma_wait3A_730, %dma_wait3A_739, %dma_wait3A_740] : memref<5x16x1536xf32, #tpu.memory_space<vmem>> -> memref<1x16x1536xf32, #tpu.memory_space<vmem>>
    %dma_wait3A_742 = tpu.memref_squeeze %dma_wait3A_741 : memref<1x16x1536xf32, #tpu.memory_space<vmem>> -> memref<16x1536xf32, #tpu.memory_space<vmem>>
    tpu.wait_dma2 semaphore(%arg15 : memref<!tpu.dma_semaphore, #tpu.memory_space<semaphore_mem>>) src(%dma_wait3A_742 : memref<16x1536xf32, #tpu.memory_space<vmem>>) dst(%dma_wait3A_738 : memref<16x1536xf32, #tpu.memory_space<hbm>>)
    %dma_wait3A_743 = arith.constant 4 : i32
    %dma_wait3A_744 = arith.constant 0 : i32
    %dma_wait3A_745 = arith.constant 0 : i32
    %dma_wait3A_746 = tpu.memref_slice %arg6[%dma_wait3A_743, %dma_wait3A_744, %dma_wait3A_745] : memref<5x16x1536xf32, #tpu.memory_space<vmem>> -> memref<1x16x1536xf32, #tpu.memory_space<vmem>>
    %dma_wait3A_747 = tpu.memref_squeeze %dma_wait3A_746 : memref<1x16x1536xf32, #tpu.memory_space<vmem>> -> memref<16x1536xf32, #tpu.memory_space<vmem>>
    %dma_wait3A_748 = arith.constant 0 : i32
    %dma_wait3A_749 = tpu.memref_slice %arg4[%add3A_665, %dma_wait3A_748] : memref<8192x1536xf32, #tpu.memory_space<hbm>> -> memref<16x1536xf32, #tpu.memory_space<hbm>>
    %dma_wait3A_750 = arith.constant 0 : i32
    %dma_wait3A_751 = tpu.memref_slice %arg4[%add3A_665, %dma_wait3A_750] : memref<8192x1536xf32, #tpu.memory_space<hbm>> -> memref<16x1536xf32, #tpu.memory_space<hbm>>
    %dma_wait3A_752 = arith.constant 0 : i32
    %dma_wait3A_753 = arith.constant 0 : i32
    %dma_wait3A_754 = tpu.memref_slice %arg6[%dma_wait3A_743, %dma_wait3A_752, %dma_wait3A_753] : memref<5x16x1536xf32, #tpu.memory_space<vmem>> -> memref<1x16x1536xf32, #tpu.memory_space<vmem>>
    %dma_wait3A_755 = tpu.memref_squeeze %dma_wait3A_754 : memref<1x16x1536xf32, #tpu.memory_space<vmem>> -> memref<16x1536xf32, #tpu.memory_space<vmem>>
    tpu.wait_dma2 semaphore(%arg16 : memref<!tpu.dma_semaphore, #tpu.memory_space<semaphore_mem>>) src(%dma_wait3A_755 : memref<16x1536xf32, #tpu.memory_space<vmem>>) dst(%dma_wait3A_751 : memref<16x1536xf32, #tpu.memory_space<hbm>>)
    %dma_wait3A_756 = arith.constant 0 : i32
    %dma_wait3A_757 = arith.constant 0 : i32
    %dma_wait3A_758 = arith.constant 0 : i32
    %dma_wait3A_759 = tpu.memref_slice %arg6[%dma_wait3A_756, %dma_wait3A_757, %dma_wait3A_758] : memref<5x16x1536xf32, #tpu.memory_space<vmem>> -> memref<1x16x1536xf32, #tpu.memory_space<vmem>>
    %dma_wait3A_760 = tpu.memref_squeeze %dma_wait3A_759 : memref<1x16x1536xf32, #tpu.memory_space<vmem>> -> memref<16x1536xf32, #tpu.memory_space<vmem>>
    %dma_wait3A_761 = arith.constant 0 : i32
    %dma_wait3A_762 = tpu.memref_slice %arg4[%add3A_690, %dma_wait3A_761] : memref<8192x1536xf32, #tpu.memory_space<hbm>> -> memref<16x1536xf32, #tpu.memory_space<hbm>>
    %dma_wait3A_763 = arith.constant 0 : i32
    %dma_wait3A_764 = tpu.memref_slice %arg4[%add3A_690, %dma_wait3A_763] : memref<8192x1536xf32, #tpu.memory_space<hbm>> -> memref<16x1536xf32, #tpu.memory_space<hbm>>
    %dma_wait3A_765 = arith.constant 0 : i32
    %dma_wait3A_766 = arith.constant 0 : i32
    %dma_wait3A_767 = tpu.memref_slice %arg6[%dma_wait3A_756, %dma_wait3A_765, %dma_wait3A_766] : memref<5x16x1536xf32, #tpu.memory_space<vmem>> -> memref<1x16x1536xf32, #tpu.memory_space<vmem>>
    %dma_wait3A_768 = tpu.memref_squeeze %dma_wait3A_767 : memref<1x16x1536xf32, #tpu.memory_space<vmem>> -> memref<16x1536xf32, #tpu.memory_space<vmem>>
    tpu.wait_dma2 semaphore(%arg12 : memref<!tpu.dma_semaphore, #tpu.memory_space<semaphore_mem>>) src(%dma_wait3A_768 : memref<16x1536xf32, #tpu.memory_space<vmem>>) dst(%dma_wait3A_764 : memref<16x1536xf32, #tpu.memory_space<hbm>>)
    return
  }
}

</mosaic_0001>

<sc_bundles>
// kernel: _gather_rows.3.cloned.1.call-start
scs
__scs_entry_jumppad:
0x0: {  	(pc) =	sbr.rel $0x88, $3  }
0x1: {  	(tag) =	ssettag $0x0;
	lr =	simm.s32 $0x1  }
0x2: {  	[smem:$0x3F9F] =	sst lr;
	_ =	strace $0xD0000000  }
0x3: {  	_ = 	snop  }
0x4: {  	_ = 	snop  }
0x5: {  	_ = 	snop  }
0x6: {  	_ = 	snop  }
0x7: {  	_ = 	snop  }
__scs_overlays_trampoline_lowered:
0x8: {  	[smem:$0x3FAE] =	sst s0  }
0x9: {  	[smem:$0x3FAF] =	sst s1  }
0xa: {  	[smem:$0x3FB0] =	sst s2  }
0xb: {  	[smem:$0x3FB1] =	sst s3  }
0xc: {  	[smem:$0x3FB2] =	sst s4  }
0xd: {  	[smem:$0x3FB3] =	sst s5  }
0xe: {  	[smem:$0x3FB4] =	sst s6  }
0xf: {  	[smem:$0x3FB5] =	sst s7  }
0x10: {  	[smem:$0x3FB6] =	sst s8  }
0x11: {  	[smem:$0x3FB7] =	sst s9;
	s0 =	simm.s32 @!p0 $0x0  }
0x12: {  	s1 =	sld [smem:$0x3F9D];
	s0 =	simm.s32 @p0 $0x1  }
0x13: {  	[smem:$0x3FB8] =	sst s0;
	s0 =	simm.s32 @!p1 $0x0  }
0x14: {  	s2 =	sld [smem:$0x3F9C];
	s0 =	simm.s32 @p1 $0x1  }
0x15: {  	[smem:$0x3FB9] =	sst s0;
	s0 =	simm.s32 @!p2 $0x0  }
0x16: {  	s3 =	sld [smem:$0x3FDB];
	s0 =	simm.s32 @p2 $0x1  }
0x17: {  	s4 =	simm.s32 $0x1BF5;
	[smem:$0x3FBB] =	sst s0  }
0x18: {  	s0 =	sld [smem:$0x3F9E];
	_ =	swait.ge [sflag:s4], $0x0  }
0x19: {  	s7 =	sld [smem:$0x3F9F]  }
0x1a: {  	s8 =	sadd.s32 $0xFFFFE003, lr  }
0x1b: {  	s9 =	sadd.s32 $0xFFFFFEF7, lr;
	s5 =	simm.s32 $0xFFFFFFFF;
	p2 =	slt.u32 s8, $0xFFFFF086  }
0x1c: {  	p1 =	slt.u32 s9, $0xF7A;
	s5 =	simm.s32 @!p2 $0x0  }
0x1d: {  	s5 =	simm.s32 @p1 $0x1;
	p0 =	seq.s32 s7, s2  }
0x1e: {  	s7 =	smul.u32 @!p0 $0xF7A, s2;
	p2 =	seq.s32 @!p0 s5, $0x0  }
0x1f: {  	s9 =	smul.u32 $0xF7A, s1;
	s8 =	simm.s32 @!p0 $0x1BF5;
	p2 =	por !p2, p0  }
0x20: {  	[sflag:s8] =	ssyncset.s32 @!p0 $0xFFFFF086;
	s6 =	sadd.s32 @!p0 s3, s7;
	s7 =	simm.s32 @!p0 $0x108  }
0x21: {  	s3 =	sadd.s32 s3, s9;
	s6 =	sadd.s32 @!p0 $0x88, s6;
	s7 =	simm.s32 @p2 $0x1082  }
0x22: {  	[simem:s7], [sflag:s8] =	dma.local @!p0 [hbm:s6], $0xF7A  }
0x23: {  	s9 =	sor.u32 $0xD0000000, s2;
	s6 =	simm.s32 $0x108;
	_ =	swait.ge @!p0 [sflag:s8], $0x0  }
0x24: {  	s3 =	sadd.s32 $0x88, s3;
	s6 =	simm.s32 @!p1 $0x1082;
	[sflag:s4] =	ssyncset.s32 $0xFFFFF086  }
0x25: {  	[simem:s6], [sflag:s4] =	dma.local [hbm:s3], $0xF7A  }
0x26: {  	[smem:$0x3F9F] =	sst s1;
	(tag) =	ssettag s2;
	_ =	strace s9  }
0x27: {  	s1 =	sld [smem:$0x3FAF]  }
0x28: {  	s2 =	sld [smem:$0x3FB0]  }
0x29: {  	s4 =	sld [smem:$0x3FB2]  }
0x2a: {  	p0 =	seq.s32 s5, $0x0;
	s5 =	sld [smem:$0x3FB3]  }
0x2b: {  	s6 =	sld [smem:$0x3FB4]  }
0x2c: {  	s7 =	sld [smem:$0x3FB5]  }
0x2d: {  	s3 =	simm.s32 $0x108;
	s8 =	sld [smem:$0x3FB6]  }
0x2e: {  	s3 =	simm.s32 @!p0 $0x1082;
	s9 =	sld [smem:$0x3FB7]  }
0x2f: {  	lr =	sadd.s32 s0, s3;
	s0 =	sld [smem:$0x3FAE]  }
0x30: {  	s3 =	sld [smem:$0x3FB1]  }
0x31: {  	[smem:$0x3FBA] =	sst s10  }
0x32: {  	s10 =	sld [smem:$0x3FB8];
	_ =	sdelay $0x3  }
0x33: {  	p0 =	seq.s32 s10, $0x1;
	s10 =	sld [smem:$0x3FBA];
	_ =	sdelay $0x3  }
0x34: {  	[smem:$0x3FBA] =	sst s10  }
0x35: {  	s10 =	sld [smem:$0x3FB9];
	_ =	sdelay $0x3  }
0x36: {  	p1 =	seq.s32 s10, $0x1;
	s10 =	sld [smem:$0x3FBA];
	_ =	sdelay $0x3  }
0x37: {  	[smem:$0x3FBA] =	sst s10  }
0x38: {  	s10 =	sld [smem:$0x3FBB]  }
0x39: {  	_ = 	snop;
	(pc) =	sbr.ind lr, $3  }
0x3a: {  	_ = 	snop  }
0x3b: {  	_ = 	snop  }
0x3c: {  	p2 =	seq.s32 s10, $0x1;
	s10 =	sld [smem:$0x3FBA]  }
0x3d: {  	_ =	shalt  }
0x3e: {  	_ =	shalt  }
0x3f: {  	_ =	shalt  }
0x40: {  	_ =	shalt  }
0x41: {  	_ =	shalt  }
0x42: {  	_ =	shalt  }
0x43: {  	_ =	shalt  }
0x44: {  	_ =	shalt  }
0x45: {  	_ =	shalt  }
0x46: {  	_ =	shalt  }
0x47: {  	_ =	shalt  }
0x48: {  	_ =	shalt  }
0x49: {  	_ =	shalt  }
0x4a: {  	_ =	shalt  }
0x4b: {  	_ =	shalt  }
0x4c: {  	_ =	shalt  }
0x4d: {  	_ =	shalt  }
0x4e: {  	_ =	shalt  }
0x4f: {  	_ =	shalt  }
0x50: {  	_ =	shalt  }
0x51: {  	_ =	shalt  }
0x52: {  	_ =	shalt  }
0x53: {  	_ =	shalt  }
0x54: {  	_ =	shalt  }
0x55: {  	_ =	shalt  }
0x56: {  	_ =	shalt  }
0x57: {  	_ =	shalt  }
0x58: {  	_ =	shalt  }
0x59: {  	_ =	shalt  }
0x5a: {  	_ =	shalt  }
0x5b: {  	_ =	shalt  }
0x5c: {  	_ =	shalt  }
0x5d: {  	_ =	shalt  }
0x5e: {  	_ =	shalt  }
0x5f: {  	_ =	shalt  }
0x60: {  	_ =	shalt  }
0x61: {  	_ =	shalt  }
0x62: {  	_ =	shalt  }
0x63: {  	_ =	shalt  }
0x64: {  	_ =	shalt  }
0x65: {  	_ =	shalt  }
0x66: {  	_ =	shalt  }
0x67: {  	_ =	shalt  }
0x68: {  	_ =	shalt  }
0x69: {  	_ =	shalt  }
0x6a: {  	_ =	shalt  }
0x6b: {  	_ =	shalt  }
0x6c: {  	_ =	shalt  }
0x6d: {  	_ =	shalt  }
0x6e: {  	_ =	shalt  }
0x6f: {  	_ =	shalt  }
0x70: {  	_ =	shalt  }
0x71: {  	_ =	shalt  }
0x72: {  	_ =	shalt  }
0x73: {  	_ =	shalt  }
0x74: {  	_ =	shalt  }
0x75: {  	_ =	shalt  }
0x76: {  	_ =	shalt  }
0x77: {  	_ =	shalt  }
0x78: {  	_ =	shalt  }
0x79: {  	_ =	shalt  }
0x7a: {  	_ =	shalt  }
0x7b: {  	_ =	shalt  }
0x7c: {  	_ =	shalt  }
0x7d: {  	_ =	shalt  }
0x7e: {  	_ =	shalt  }
0x7f: {  	_ =	shalt  }
0x80: {  	_ =	shalt  }
0x81: {  	_ =	shalt  }
0x82: {  	_ =	shalt  }
0x83: {  	_ =	shalt  }
0x84: {  	_ =	shalt  }
0x85: {  	_ =	shalt  }
0x86: {  	_ =	shalt  }
0x87: {  	_ =	shalt  }
.Lfunc_end0:
.L_simem_size_0:
called_computation_lowered:
.L_overlay_start_0:
0x88: {  	s2 =	sld [smem:$0x3FD9]  }
0x89: {  	s3 =	sld [smem:$0x3FFE];
	_ =	sdelay $0x1  }
0x8a: {  	s1 =	srdreg.scid  }
0x8b: {  	s0 =	sand.u32 $0x1, s1  }
0x8c: {  	s18 =	sshll.u32 s0, $0xA;
	s2 =	sadd.s32 s3, s2  }
0x8d: {  	s2 =	sadd.s32 s2, s18  }
0x8e: {  	[smem:$0x3FC6] =	sst s2  }
0x8f: {  	_ = 	snop  }
0x90: {  	s2 =	sld [smem:$0x3FC9]  }
0x91: {  	s19 =	sld [smem:$0x3FC8]  }
0x92: {  	s4 =	sld [smem:$0x3FD0];
	(tm) =	ssettm $0x1  }
0x93: {  	s5 =	sld [smem:$0x3FFB];
	_ =	sdelay $0x3  }
0x94: {  	_ =	strace s5  }
0x95: {  	s5 =	sld [smem:$0x3FFC];
	_ =	sdelay $0x3  }
0x96: {  	_ =	strace s5  }
0x97: {  	s5 =	sld [smem:$0x3FFD];
	_ =	sdelay $0x3  }
0x98: {  	_ =	strace s5  }
0x99: {  	_ =	strace $0x8FFFFFFF  }
0x9a: {  	s20 =	sld [smem:$0x3FDB];
	_ =	sdelay $0x1  }
0x9b: {  	s6 =	simm.s32 $_scs_section_size  }
0x9c: {  	s7 =	simm.s32 $_size__tile_overlayer_lowered;
	s8 =	simm.s32 $_tile_overlayer_lowered  }
0x9d: {  	s23 =	simm.s32 $0x1BFF;
	s22 =	sshll.u32 s8, $0x1;
	s5 =	sadd.s32 s6, s20  }
0x9e: {  	s9 =	simm.s32 $0x0;
	s21 =	sshll.u32 s7, $0x1;
	s7 =	sadd.s32 s22, s5  }
0x9f: {  	[timem:s9], [sflag:s23] =	dma.local [hbm:s7], s21  }
0xa0: {  	_ =	swait.ge [sflag:s23], s21  }
0xa1: {  	s6 =	ssub.s32 $0x0, s21;
	[sflag:s23] =	ssyncset.done $0x0  }
0xa2: {  	[sflag:s23] =	ssyncadd.s32 s6;
	_ =	sdelay $0x1  }
0xa3: {  	s24 =	simm.s32 $0x1B8B  }
0xa4: {  	_ =	swait.ge [sflag:s24], $0x1  }
0xa5: {  	[sflag:s24] =	ssyncset.done $0x0  }
0xa6: {  	s25 =	simm.s32 $0x1B8E;
	[sflag:s24] =	ssyncadd.s32 $0xFFFFFFFF  }
0xa7: {  	s26 =	simm.s32 $execute0_lowered;
	[smem:$0x3FD2] =	sst s25  }
0xa8: {  	s6 =	sshll.u32 s26, $0x1;
	_ =	strace $0x80000046;
	[dreg:$0x1] =	wrdreg $0xFFFFFFFF  }
0xa9: {  	s28 =	simm.s32 $_size_execute0_lowered;
	s5 =	sadd.s32 s5, s6;
	[dreg:$0x0] =	wrdreg $0x0  }
0xaa: {  	s6 =	sshll.u32 s28, $0x1;
	[dreg:$0x2] =	wrdreg s5  }
0xab: {  	[dreg:$0x3] =	wrdreg s6  }
0xac: {  	[dreg:$0x4] =	wrdreg $0xC0  }
0xad: {  	_ =	task [dreg:s9], $0x5FFFF  }
0xae: {  	[dreg:$0x1] =	wrdreg $0xFFFFFFFF  }
0xaf: {  	[dreg:$0x0] =	wrdreg $0x60  }
0xb0: {  	[dreg:$0x2] =	wrdreg s2  }
0xb1: {  	[dreg:$0x3] =	wrdreg s19  }
0xb2: {  	[dreg:$0x4] =	wrdreg s4  }
0xb3: {  	[dreg:$0x5] =	wrdreg $0x9  }
0xb4: {  	_ =	task.clear_ibuf [dreg:s9], $0x6FFFF;
	_ =	strace $0x90000046  }
0xb5: {  	s29 =	simm.s32 $0x9;
	_ =	strace $0x80000048  }
0xb6: {  	_ =	swait.ge [sflag:s29], $0x1  }
0xb7: {  	[sflag:s29] =	ssyncadd.s32 $0xFFFFFFFF  }
0xb8: {  	_ =	strace $0x90000048  }
0xb9: {  	_ =	sfence  }
0xba: {  	s30 =	sld [smem:$0x0];
	_ =	sdelay $0x2  }
0xbb: {  	s31 =	sshll.u32 s1, $0xD;
	s1 =	sshrl.u32 s1, $0x2  }
0xbc: {  	s3 =	sand.u32 $0x4000, s31;
	s1 =	sadd.s32 s1, s30  }
0xbd: {  	s0 =	sor.u32 s3, s0;
	s1 =	sshll.u32 s1, $0x11  }
0xbe: {  	s0 =	sor.u32 s1, s0  }
0xbf: {  	s0 =	sadd.s32 $0x8F2B, s0  }
0xc0: {  	[sflag:s0] =	ssyncadd.remote.s32 $0x1  }
0xc1: {  	_ =	sfence.sel $0xFFFF  }
0xc2: {  	[dreg:$0x0] =	wrdreg $0xFFFFFFFF;
	(pc) =	sbr.abs _section_cstart, $3  }
0xc3: {  	[dreg:$0x1] =	wrdreg $0xFFFFFFFF  }
0xc4: {  	_ =	task.clear_ibuf [dreg:s9], $0x2FFFF;
	_ =	strace $0x9FFFFFFF  }
0xc5: {  	(tm) =	ssettm $0x7FFFFFFF  }
tec
execute0_lowered:
.L_overlay_start_1:
0x0: {  	(tag) =	ssettag $0x1  }
0x1: {  	s1 =	rddreg [dreg:$0x0]  }
0x2: {  	s0 =	srdreg.scid;
	s2 =	rddreg [dreg:$0x1]  }
0x3: {  	s3 =	stileid.u32;
	s5 =	rddreg [dreg:$0x2]  }
0x4: {  	s31 =	simm.s32 $0x1;
	s11 =	simm.s32 $0x7;
	s0 =	sand.u32 $0x1, s0  }
0x5: {  	s28 =	simm.s32 $0x8;
	s3 =	sshll.u32 s3, $0x6;
	s4 =	sshll.u32 s0, $0x5  }
0x6: {  	s29 =	simm.s32 $0x4;
	s7 =	sadd.s32 $0x300, s2;
	s4 =	sor.u32 s4, s3  }
0x7: {  	s8 =	sadd.s32 $0x400, s2;
	s3 =	simm.s32 $0x0;
	s6 =	smul.u32 $0x600, s4  }
0x8: {  	s9 =	sadd.s32 $0x500, s2;
	[smem:$0x7FF] =	sst s3;
	s1 =	sadd.s32 s1, s4  }
0x9: {  	_ =	strace $0x80000047;
	[dreg:$0x4] =	wrdreg s1;
	s6 =	sadd.s32 s5, s6  }
0xa: {  	s0 =	ssub.s32 $0x2, s0;
	s12 =	sadd.s32 $0xC00, s6;
	[dreg:$0x14] =	wrdreg s6  }
0xb: {  	s4 =	smul.u32 $0x3000, s4;
	s13 =	sadd.s32 $0x1800, s6;
	[dreg:$0x5] =	wrdreg s12  }
0xc: {  	s22 =	sshrl.u32 s0, $0x1;
	s14 =	sadd.s32 $0x2400, s6;
	[dreg:$0x6] =	wrdreg s13  }
0xd: {  	s4 =	sshrl.u32 s4, $0x3;
	s15 =	sadd.s32 $0x3000, s6;
	[dreg:$0x7] =	wrdreg s14  }
0xe: {  	s16 =	sadd.s32 $0x3C00, s6;
	s4 =	sadd.s32 s5, s4;
	[dreg:$0x8] =	wrdreg s15  }
0xf: {  	s0 =	ssub.s32 s0, s22;
	[dreg:$0x9] =	wrdreg s16;
	s17 =	sadd.s32 $0x4800, s4  }
0x10: {  	s10 =	smax.u32 s0, $0x1;
	s18 =	sadd.s32 $0x5400, s4;
	[dreg:$0xa] =	wrdreg s17  }
0x11: {  	s1 =	simm.s32 $0x6;
	s19 =	sadd.s32 $0x6000, s4;
	[dreg:$0xb] =	wrdreg s18  }
0x12: {  	s0 =	simm.s32 $0x100;
	s20 =	sadd.s32 $0x6C00, s4;
	[dreg:$0xc] =	wrdreg s19  }
0x13: {  	s5 =	sadd.s32 $0x100, s2;
	s21 =	sadd.s32 $0x7800, s4;
	[dreg:$0xd] =	wrdreg s20  }
0x14: {  	s6 =	sadd.s32 $0x200, s2;
	s23 =	sadd.s32 $0x8400, s4;
	[dreg:$0xe] =	wrdreg s21  }
0x15: {  	s24 =	sadd.s32 $0x9000, s4;
	s25 =	sadd.s32 $0x9C00, s4;
	[dreg:$0xf] =	wrdreg s23  }
0x16: {  	s26 =	sadd.s32 $0xA800, s4;
	s30 =	sadd.s32 $0xB400, s4;
	[dreg:$0x10] =	wrdreg s24  }
0x17: {  	s13 =	simm.s32 $0x9;
	s14 =	simm.s32 $0x5;
	[dreg:$0x11] =	wrdreg s25  }
0x18: {  	v2 =	vlaneseq.u32;
	s15 =	simm.s32 $0xA;
	s12 =	simm.s32 $0xC100;
	[dreg:$0x12] =	wrdreg s26  }
0x19: {  	vm0 =	vmmov $0xffff;
	v1 =	vshrl.u32 v2, $0x3;
	[dreg:$0x13] =	wrdreg s30;
	s19 =	simm.s32 $0x2;
	s25 =	simm.s32 $0x3  }
0x1a: {  	v0 =	vand.u32 $0x7, v2;
	v2 =	vor.u32 $0x8, v2;
	v1 =	vmul.u32 $0x8, v1;
	s20 =	simm.s32 $0x6100;
	s17 =	simm.s32 $0x12100;
	s18 =	simm.s32 $0x18100  }
.LBB2_1:
0x1b: {  	s16 =	rddreg [dreg:$0x4];
	s24 =	simm.s32 $0xB  }
0x1c: {  	[tilespmem:s3], [sflag:$0xB] =	stream.linear.gather [hbm4b:s16+s3], $0x100, $0x38;
	[tilespmem:$0x1E100] =	vst v63  }
0x1d: {  	_ =	swait.ge [sflag:s24], $0x100  }
0x1e: {  	[sflag:s24] =	ssyncset.done $0x0  }
0x1f: {  	[sflag:s24] =	ssyncadd.s32 $0xFFFFFF00  }
0x20: {  	v3 =	vld [tilespmem:$0x0];
	_ =	sdelay $0x4  }
0x21: {  	v4 =	vshrl.u32 v3, $0x3  }
0x22: {  	v4 =	vmul.u32 $0x60, v4  }
0x23: {  	v3 =	vand.u32 $0x7, v3  }
0x24: {  	v3 =	vor.u32 v3, v4  }
0x25: {  	v4 =	vperm.xlane v3, v0;
	_ =	sdelay $0x1  }
0x26: {  	v4 =	vadd.s32 v1, v4;
	_ =	sdelay $0x4  }
0x27: {  	[tilespmem:s0], [sflag:$0x1] =	stream.indirect_vreg.gather [hbm4b:s2+s3], $0x80, v4, vm0, $0xb8;
	[tilespmem:$0x1E100] =	vst v63  }
0x28: {  	s4 =	simm.s32 $0x900  }
0x29: {  	[tilespmem:s4], [sflag:$0x1] =	stream.indirect_vreg.gather [hbm4b:s5+s3], $0x80, v4, vm0, $0xb8;
	[tilespmem:$0x1E100] =	vst v63  }
0x2a: {  	s26 =	simm.s32 $0x1100  }
0x2b: {  	[tilespmem:s26], [sflag:$0x1] =	stream.indirect_vreg.gather [hbm4b:s6+s3], $0x80, v4, vm0, $0xb8;
	[tilespmem:$0x1E100] =	vst v63  }
0x2c: {  	s30 =	simm.s32 $0x1900;
	v3 =	vperm.xlane v3, v2  }
0x2d: {  	[tilespmem:s30], [sflag:$0x1] =	stream.indirect_vreg.gather [hbm4b:s7+s3], $0x80, v4, vm0, $0xb8;
	[tilespmem:$0x1E100] =	vst v63  }
0x2e: {  	s16 =	simm.s32 $0x2100;
	v3 =	vadd.s32 v1, v3  }
0x2f: {  	[tilespmem:s16], [sflag:$0x1] =	stream.indirect_vreg.gather [hbm4b:s8+s3], $0x80, v4, vm0, $0xb8;
	[tilespmem:$0x1E100] =	vst v63  }
0x30: {  	s22 =	simm.s32 $0x2900  }
0x31: {  	[tilespmem:s22], [sflag:$0x1] =	stream.indirect_vreg.gather [hbm4b:s9+s3], $0x80, v4, vm0, $0xb8;
	[tilespmem:$0x1E100] =	vst v63  }
0x32: {  	s23 =	simm.s32 $0x3100  }
0x33: {  	[tilespmem:s23], [sflag:$0x1] =	stream.indirect_vreg.gather [hbm4b:s2+s3], $0x80, v3, vm0, $0xb8;
	[tilespmem:$0x1E100] =	vst v63  }
0x34: {  	s24 =	simm.s32 $0x3900  }
0x35: {  	[tilespmem:s24], [sflag:$0x1] =	stream.indirect_vreg.gather [hbm4b:s5+s3], $0x80, v3, vm0, $0xb8;
	[tilespmem:$0x1E100] =	vst v63  }
0x36: {  	s26 =	simm.s32 $0x4100  }
0x37: {  	[tilespmem:s26], [sflag:$0x1] =	stream.indirect_vreg.gather [hbm4b:s6+s3], $0x80, v3, vm0, $0xb8;
	[tilespmem:$0x1E100] =	vst v63  }
0x38: {  	s30 =	simm.s32 $0x4900  }
0x39: {  	[tilespmem:s30], [sflag:$0x1] =	stream.indirect_vreg.gather [hbm4b:s7+s3], $0x80, v3, vm0, $0xb8;
	[tilespmem:$0x1E100] =	vst v63  }
0x3a: {  	s16 =	simm.s32 $0x5100  }
0x3b: {  	[tilespmem:s16], [sflag:$0x1] =	stream.indirect_vreg.gather [hbm4b:s8+s3], $0x80, v3, vm0, $0xb8;
	[tilespmem:$0x1E100] =	vst v63  }
0x3c: {  	s22 =	simm.s32 $0x5900  }
0x3d: {  	[tilespmem:s22], [sflag:$0x1] =	stream.indirect_vreg.gather [hbm4b:s9+s3], $0x80, v3, vm0, $0xb8;
	[tilespmem:$0x1E100] =	vst v63  }
0x3e: {  	v3 =	vld [tilespmem:$0x10];
	_ =	sdelay $0x4  }
0x3f: {  	v49 =	vshrl.u32 v3, $0x3  }
0x40: {  	v4 =	vmul.u32 $0x60, v49  }
0x41: {  	v3 =	vand.u32 $0x7, v3  }
0x42: {  	v3 =	vor.u32 v3, v4  }
0x43: {  	v4 =	vperm.xlane v3, v0;
	_ =	sdelay $0x1  }
0x44: {  	v4 =	vadd.s32 v1, v4;
	_ =	sdelay $0x4  }
0x45: {  	[tilespmem:s20], [sflag:$0x2] =	stream.indirect_vreg.gather [hbm4b:s2+s3], $0x80, v4, vm0, $0xb8;
	[tilespmem:$0x1E100] =	vst v63  }
0x46: {  	s16 =	simm.s32 $0x6900  }
0x47: {  	[tilespmem:s16], [sflag:$0x2] =	stream.indirect_vreg.gather [hbm4b:s5+s3], $0x80, v4, vm0, $0xb8;
	[tilespmem:$0x1E100] =	vst v63  }
0x48: {  	s16 =	simm.s32 $0x7100  }
0x49: {  	[tilespmem:s16], [sflag:$0x2] =	stream.indirect_vreg.gather [hbm4b:s6+s3], $0x80, v4, vm0, $0xb8;
	[tilespmem:$0x1E100] =	vst v63  }
0x4a: {  	v3 =	vperm.xlane v3, v2;
	s16 =	simm.s32 $0x7900  }
0x4b: {  	[tilespmem:s16], [sflag:$0x2] =	stream.indirect_vreg.gather [hbm4b:s7+s3], $0x80, v4, vm0, $0xb8;
	[tilespmem:$0x1E100] =	vst v63  }
0x4c: {  	v3 =	vadd.s32 v1, v3;
	s16 =	simm.s32 $0x8100  }
0x4d: {  	[tilespmem:s16], [sflag:$0x2] =	stream.indirect_vreg.gather [hbm4b:s8+s3], $0x80, v4, vm0, $0xb8;
	[tilespmem:$0x1E100] =	vst v63  }
0x4e: {  	s16 =	simm.s32 $0x8900  }
0x4f: {  	[tilespmem:s16], [sflag:$0x2] =	stream.indirect_vreg.gather [hbm4b:s9+s3], $0x80, v4, vm0, $0xb8;
	[tilespmem:$0x1E100] =	vst v63  }
0x50: {  	s16 =	simm.s32 $0x9100  }
0x51: {  	[tilespmem:s16], [sflag:$0x2] =	stream.indirect_vreg.gather [hbm4b:s2+s3], $0x80, v3, vm0, $0xb8;
	[tilespmem:$0x1E100] =	vst v63  }
0x52: {  	s16 =	simm.s32 $0x9900  }
0x53: {  	[tilespmem:s16], [sflag:$0x2] =	stream.indirect_vreg.gather [hbm4b:s5+s3], $0x80, v3, vm0, $0xb8;
	[tilespmem:$0x1E100] =	vst v63  }
0x54: {  	s16 =	simm.s32 $0xA100  }
0x55: {  	[tilespmem:s16], [sflag:$0x2] =	stream.indirect_vreg.gather [hbm4b:s6+s3], $0x80, v3, vm0, $0xb8;
	[tilespmem:$0x1E100] =	vst v63  }
0x56: {  	s16 =	simm.s32 $0xA900  }
0x57: {  	[tilespmem:s16], [sflag:$0x2] =	stream.indirect_vreg.gather [hbm4b:s7+s3], $0x80, v3, vm0, $0xb8;
	[tilespmem:$0x1E100] =	vst v63  }
0x58: {  	s16 =	simm.s32 $0xB100  }
0x59: {  	[tilespmem:s16], [sflag:$0x2] =	stream.indirect_vreg.gather [hbm4b:s8+s3], $0x80, v3, vm0, $0xb8;
	[tilespmem:$0x1E100] =	vst v63  }
0x5a: {  	s16 =	simm.s32 $0xB900  }
0x5b: {  	[tilespmem:s16], [sflag:$0x2] =	stream.indirect_vreg.gather [hbm4b:s9+s3], $0x80, v3, vm0, $0xb8;
	[tilespmem:$0x1E100] =	vst v63  }
0x5c: {  	v3 =	vld [tilespmem:$0x20];
	_ =	sdelay $0x4  }
0x5d: {  	v50 =	vshrl.u32 v3, $0x3  }
0x5e: {  	v4 =	vmul.u32 $0x60, v50  }
0x5f: {  	v3 =	vand.u32 $0x7, v3  }
0x60: {  	v3 =	vor.u32 v3, v4  }
0x61: {  	v4 =	vperm.xlane v3, v0;
	_ =	sdelay $0x1  }
0x62: {  	v4 =	vadd.s32 v1, v4;
	_ =	sdelay $0x4  }
0x63: {  	[tilespmem:s12], [sflag:$0x3] =	stream.indirect_vreg.gather [hbm4b:s2+s3], $0x80, v4, vm0, $0xb8;
	[tilespmem:$0x1E100] =	vst v63  }
0x64: {  	s16 =	simm.s32 $0xC900  }
0x65: {  	[tilespmem:s16], [sflag:$0x3] =	stream.indirect_vreg.gather [hbm4b:s5+s3], $0x80, v4, vm0, $0xb8;
	[tilespmem:$0x1E100] =	vst v63  }
0x66: {  	s16 =	simm.s32 $0xD100  }
0x67: {  	[tilespmem:s16], [sflag:$0x3] =	stream.indirect_vreg.gather [hbm4b:s6+s3], $0x80, v4, vm0, $0xb8;
	[tilespmem:$0x1E100] =	vst v63  }
0x68: {  	v3 =	vperm.xlane v3, v2;
	s16 =	simm.s32 $0xD900  }
0x69: {  	[tilespmem:s16], [sflag:$0x3] =	stream.indirect_vreg.gather [hbm4b:s7+s3], $0x80, v4, vm0, $0xb8;
	[tilespmem:$0x1E100] =	vst v63  }
0x6a: {  	v3 =	vadd.s32 v1, v3;
	s16 =	simm.s32 $0xE100  }
0x6b: {  	[tilespmem:s16], [sflag:$0x3] =	stream.indirect_vreg.gather [hbm4b:s8+s3], $0x80, v4, vm0, $0xb8;
	[tilespmem:$0x1E100] =	vst v63  }
0x6c: {  	s16 =	simm.s32 $0xE900  }
0x6d: {  	[tilespmem:s16], [sflag:$0x3] =	stream.indirect_vreg.gather [hbm4b:s9+s3], $0x80, v4, vm0, $0xb8;
	[tilespmem:$0x1E100] =	vst v63  }
0x6e: {  	s16 =	simm.s32 $0xF100  }
0x6f: {  	[tilespmem:s16], [sflag:$0x3] =	stream.indirect_vreg.gather [hbm4b:s2+s3], $0x80, v3, vm0, $0xb8;
	[tilespmem:$0x1E100] =	vst v63  }
0x70: {  	s16 =	simm.s32 $0xF900  }
0x71: {  	[tilespmem:s16], [sflag:$0x3] =	stream.indirect_vreg.gather [hbm4b:s5+s3], $0x80, v3, vm0, $0xb8;
	[tilespmem:$0x1E100] =	vst v63  }
0x72: {  	s16 =	simm.s32 $0x10100  }
0x73: {  	[tilespmem:s16], [sflag:$0x3] =	stream.indirect_vreg.gather [hbm4b:s6+s3], $0x80, v3, vm0, $0xb8;
	[tilespmem:$0x1E100] =	vst v63  }
0x74: {  	s16 =	simm.s32 $0x10900  }
0x75: {  	[tilespmem:s16], [sflag:$0x3] =	stream.indirect_vreg.gather [hbm4b:s7+s3], $0x80, v3, vm0, $0xb8;
	[tilespmem:$0x1E100] =	vst v63  }
0x76: {  	s16 =	simm.s32 $0x11100  }
0x77: {  	[tilespmem:s16], [sflag:$0x3] =	stream.indirect_vreg.gather [hbm4b:s8+s3], $0x80, v3, vm0, $0xb8;
	[tilespmem:$0x1E100] =	vst v63  }
0x78: {  	s16 =	simm.s32 $0x11900  }
0x79: {  	[tilespmem:s16], [sflag:$0x3] =	stream.indirect_vreg.gather [hbm4b:s9+s3], $0x80, v3, vm0, $0xb8;
	[tilespmem:$0x1E100] =	vst v63  }
0x7a: {  	v3 =	vld [tilespmem:$0x30];
	_ =	sdelay $0x4  }
0x7b: {  	v51 =	vshrl.u32 v3, $0x3  }
0x7c: {  	v4 =	vmul.u32 $0x60, v51  }
0x7d: {  	v3 =	vand.u32 $0x7, v3  }
0x7e: {  	v3 =	vor.u32 v3, v4  }
0x7f: {  	v4 =	vperm.xlane v3, v0;
	_ =	sdelay $0x1  }
0x80: {  	v4 =	vadd.s32 v1, v4;
	_ =	sdelay $0x4  }
0x81: {  	[tilespmem:s17], [sflag:$0x4] =	stream.indirect_vreg.gather [hbm4b:s2+s3], $0x80, v4, vm0, $0xb8;
	[tilespmem:$0x1E100] =	vst v63  }
0x82: {  	s16 =	simm.s32 $0x12900  }
0x83: {  	[tilespmem:s16], [sflag:$0x4] =	stream.indirect_vreg.gather [hbm4b:s5+s3], $0x80, v4, vm0, $0xb8;
	[tilespmem:$0x1E100] =	vst v63  }
0x84: {  	s16 =	simm.s32 $0x13100  }
0x85: {  	[tilespmem:s16], [sflag:$0x4] =	stream.indirect_vreg.gather [hbm4b:s6+s3], $0x80, v4, vm0, $0xb8;
	[tilespmem:$0x1E100] =	vst v63  }
0x86: {  	v3 =	vperm.xlane v3, v2;
	s16 =	simm.s32 $0x13900  }
0x87: {  	[tilespmem:s16], [sflag:$0x4] =	stream.indirect_vreg.gather [hbm4b:s7+s3], $0x80, v4, vm0, $0xb8;
	[tilespmem:$0x1E100] =	vst v63  }
0x88: {  	v3 =	vadd.s32 v1, v3;
	s16 =	simm.s32 $0x14100  }
0x89: {  	[tilespmem:s16], [sflag:$0x4] =	stream.indirect_vreg.gather [hbm4b:s8+s3], $0x80, v4, vm0, $0xb8;
	[tilespmem:$0x1E100] =	vst v63  }
0x8a: {  	s16 =	simm.s32 $0x14900  }
0x8b: {  	[tilespmem:s16], [sflag:$0x4] =	stream.indirect_vreg.gather [hbm4b:s9+s3], $0x80, v4, vm0, $0xb8;
	[tilespmem:$0x1E100] =	vst v63  }
0x8c: {  	s16 =	simm.s32 $0x15100  }
0x8d: {  	[tilespmem:s16], [sflag:$0x4] =	stream.indirect_vreg.gather [hbm4b:s2+s3], $0x80, v3, vm0, $0xb8;
	[tilespmem:$0x1E100] =	vst v63  }
0x8e: {  	s16 =	simm.s32 $0x15900  }
0x8f: {  	[tilespmem:s16], [sflag:$0x4] =	stream.indirect_vreg.gather [hbm4b:s5+s3], $0x80, v3, vm0, $0xb8;
	[tilespmem:$0x1E100] =	vst v63  }
0x90: {  	s16 =	simm.s32 $0x16100  }
0x91: {  	[tilespmem:s16], [sflag:$0x4] =	stream.indirect_vreg.gather [hbm4b:s6+s3], $0x80, v3, vm0, $0xb8;
	[tilespmem:$0x1E100] =	vst v63  }
0x92: {  	s16 =	simm.s32 $0x16900  }
0x93: {  	[tilespmem:s16], [sflag:$0x4] =	stream.indirect_vreg.gather [hbm4b:s7+s3], $0x80, v3, vm0, $0xb8;
	[tilespmem:$0x1E100] =	vst v63  }
0x94: {  	s16 =	simm.s32 $0x17100  }
0x95: {  	[tilespmem:s16], [sflag:$0x4] =	stream.indirect_vreg.gather [hbm4b:s8+s3], $0x80, v3, vm0, $0xb8;
	[tilespmem:$0x1E100] =	vst v63  }
0x96: {  	s16 =	simm.s32 $0x17900  }
0x97: {  	[tilespmem:s16], [sflag:$0x4] =	stream.indirect_vreg.gather [hbm4b:s9+s3], $0x80, v3, vm0, $0xb8;
	[tilespmem:$0x1E100] =	vst v63  }
0x98: {  	v3 =	vld [tilespmem:$0x40];
	_ =	sdelay $0x4  }
0x99: {  	v52 =	vshrl.u32 v3, $0x3  }
0x9a: {  	v4 =	vmul.u32 $0x60, v52  }
0x9b: {  	v3 =	vand.u32 $0x7, v3  }
0x9c: {  	v3 =	vor.u32 v3, v4  }
0x9d: {  	v4 =	vperm.xlane v3, v0;
	_ =	sdelay $0x1  }
0x9e: {  	v4 =	vadd.s32 v1, v4;
	_ =	sdelay $0x4  }
0x9f: {  	[tilespmem:s18], [sflag:$0x5] =	stream.indirect_vreg.gather [hbm4b:s2+s3], $0x80, v4, vm0, $0xb8;
	[tilespmem:$0x1E100] =	vst v63  }
0xa0: {  	s16 =	simm.s32 $0x18900  }
0xa1: {  	[tilespmem:s16], [sflag:$0x5] =	stream.indirect_vreg.gather [hbm4b:s5+s3], $0x80, v4, vm0, $0xb8;
	[tilespmem:$0x1E100] =	vst v63  }
0xa2: {  	s16 =	simm.s32 $0x19100  }
0xa3: {  	[tilespmem:s16], [sflag:$0x5] =	stream.indirect_vreg.gather [hbm4b:s6+s3], $0x80, v4, vm0, $0xb8;
	[tilespmem:$0x1E100] =	vst v63  }
0xa4: {  	v3 =	vperm.xlane v3, v2;
	s16 =	simm.s32 $0x19900  }
0xa5: {  	[tilespmem:s16], [sflag:$0x5] =	stream.indirect_vreg.gather [hbm4b:s7+s3], $0x80, v4, vm0, $0xb8;
	[tilespmem:$0x1E100] =	vst v63  }
0xa6: {  	v3 =	vadd.s32 v1, v3;
	s16 =	simm.s32 $0x1A100  }
0xa7: {  	[tilespmem:s16], [sflag:$0x5] =	stream.indirect_vreg.gather [hbm4b:s8+s3], $0x80, v4, vm0, $0xb8;
	[tilespmem:$0x1E100] =	vst v63  }
0xa8: {  	s16 =	simm.s32 $0x1A900  }
0xa9: {  	[tilespmem:s16], [sflag:$0x5] =	stream.indirect_vreg.gather [hbm4b:s9+s3], $0x80, v4, vm0, $0xb8;
	[tilespmem:$0x1E100] =	vst v63  }
0xaa: {  	s16 =	simm.s32 $0x1B100  }
0xab: {  	[tilespmem:s16], [sflag:$0x5] =	stream.indirect_vreg.gather [hbm4b:s2+s3], $0x80, v3, vm0, $0xb8;
	[tilespmem:$0x1E100] =	vst v63  }
0xac: {  	s16 =	simm.s32 $0x1B900  }
0xad: {  	[tilespmem:s16], [sflag:$0x5] =	stream.indirect_vreg.gather [hbm4b:s5+s3], $0x80, v3, vm0, $0xb8;
	[tilespmem:$0x1E100] =	vst v63  }
0xae: {  	s16 =	simm.s32 $0x1C100  }
0xaf: {  	[tilespmem:s16], [sflag:$0x5] =	stream.indirect_vreg.gather [hbm4b:s6+s3], $0x80, v3, vm0, $0xb8;
	[tilespmem:$0x1E100] =	vst v63  }
0xb0: {  	s16 =	simm.s32 $0x1C900  }
0xb1: {  	[tilespmem:s16], [sflag:$0x5] =	stream.indirect_vreg.gather [hbm4b:s7+s3], $0x80, v3, vm0, $0xb8;
	[tilespmem:$0x1E100] =	vst v63  }
0xb2: {  	s16 =	simm.s32 $0x1D100  }
0xb3: {  	[tilespmem:s16], [sflag:$0x5] =	stream.indirect_vreg.gather [hbm4b:s8+s3], $0x80, v3, vm0, $0xb8;
	[tilespmem:$0x1E100] =	vst v63  }
0xb4: {  	s16 =	simm.s32 $0x1D900  }
0xb5: {  	[tilespmem:s16], [sflag:$0x5] =	stream.indirect_vreg.gather [hbm4b:s9+s3], $0x80, v3, vm0, $0xb8;
	[tilespmem:$0x1E100] =	vst v63  }
0xb6: {  	_ =	swait.ge [sflag:s31], $0x6000  }
0xb7: {  	[sflag:s31] =	ssyncset.done $0x0  }
0xb8: {  	s4 =	rddreg [dreg:$0x14];
	[sflag:s31] =	ssyncadd.s32 $0xFFFFA000  }
0xb9: {  	[hbm4b:s4+s3] =	stream.linear.scatter [tilespmem:s0], [sflag:$0x6], $0x6000, $0x38;
	[tilespmem:$0x1E100] =	vst v63  }
0xba: {  	_ =	swait.ge [sflag:s1], $0x6000  }
0xbb: {  	[sflag:s1] =	ssyncset.done $0x0  }
0xbc: {  	[sflag:s1] =	ssyncadd.s32 $0xFFFFA000  }
0xbd: {  	v3 =	vld [tilespmem:$0x50];
	_ =	sdelay $0x4  }
0xbe: {  	v53 =	vshrl.u32 v3, $0x3  }
0xbf: {  	v4 =	vmul.u32 $0x60, v53  }
0xc0: {  	v3 =	vand.u32 $0x7, v3  }
0xc1: {  	v3 =	vor.u32 v3, v4  }
0xc2: {  	v4 =	vperm.xlane v3, v0;
	_ =	sdelay $0x1  }
0xc3: {  	v4 =	vadd.s32 v1, v4;
	_ =	sdelay $0x4  }
0xc4: {  	[tilespmem:s0], [sflag:$0x1] =	stream.indirect_vreg.gather [hbm4b:s2+s3], $0x80, v4, vm0, $0xb8;
	[tilespmem:$0x1E100] =	vst v63  }
0xc5: {  	s16 =	simm.s32 $0x900  }
0xc6: {  	[tilespmem:s16], [sflag:$0x1] =	stream.indirect_vreg.gather [hbm4b:s5+s3], $0x80, v4, vm0, $0xb8;
	[tilespmem:$0x1E100] =	vst v63  }
0xc7: {  	s4 =	simm.s32 $0x1100  }
0xc8: {  	[tilespmem:s4], [sflag:$0x1] =	stream.indirect_vreg.gather [hbm4b:s6+s3], $0x80, v4, vm0, $0xb8;
	[tilespmem:$0x1E100] =	vst v63  }
0xc9: {  	s21 =	simm.s32 $0x1900;
	v3 =	vperm.xlane v3, v2  }
0xca: {  	[tilespmem:s21], [sflag:$0x1] =	stream.indirect_vreg.gather [hbm4b:s7+s3], $0x80, v4, vm0, $0xb8;
	[tilespmem:$0x1E100] =	vst v63  }
0xcb: {  	v3 =	vadd.s32 v1, v3;
	s21 =	simm.s32 $0x2100  }
0xcc: {  	[tilespmem:s21], [sflag:$0x1] =	stream.indirect_vreg.gather [hbm4b:s8+s3], $0x80, v4, vm0, $0xb8;
	[tilespmem:$0x1E100] =	vst v63  }
0xcd: {  	s16 =	simm.s32 $0x2900  }
0xce: {  	[tilespmem:s16], [sflag:$0x1] =	stream.indirect_vreg.gather [hbm4b:s9+s3], $0x80, v4, vm0, $0xb8;
	[tilespmem:$0x1E100] =	vst v63  }
0xcf: {  	s16 =	simm.s32 $0x3100  }
0xd0: {  	[tilespmem:s16], [sflag:$0x1] =	stream.indirect_vreg.gather [hbm4b:s2+s3], $0x80, v3, vm0, $0xb8;
	[tilespmem:$0x1E100] =	vst v63  }
0xd1: {  	s23 =	simm.s32 $0x3900  }
0xd2: {  	[tilespmem:s23], [sflag:$0x1] =	stream.indirect_vreg.gather [hbm4b:s5+s3], $0x80, v3, vm0, $0xb8;
	[tilespmem:$0x1E100] =	vst v63  }
0xd3: {  	s24 =	simm.s32 $0x4100  }
0xd4: {  	[tilespmem:s24], [sflag:$0x1] =	stream.indirect_vreg.gather [hbm4b:s6+s3], $0x80, v3, vm0, $0xb8;
	[tilespmem:$0x1E100] =	vst v63  }
0xd5: {  	s26 =	simm.s32 $0x4900  }
0xd6: {  	[tilespmem:s26], [sflag:$0x1] =	stream.indirect_vreg.gather [hbm4b:s7+s3], $0x80, v3, vm0, $0xb8;
	[tilespmem:$0x1E100] =	vst v63  }
0xd7: {  	s30 =	simm.s32 $0x5100  }
0xd8: {  	[tilespmem:s30], [sflag:$0x1] =	stream.indirect_vreg.gather [hbm4b:s8+s3], $0x80, v3, vm0, $0xb8;
	[tilespmem:$0x1E100] =	vst v63  }
0xd9: {  	s22 =	simm.s32 $0x5900  }
0xda: {  	[tilespmem:s22], [sflag:$0x1] =	stream.indirect_vreg.gather [hbm4b:s9+s3], $0x80, v3, vm0, $0xb8;
	[tilespmem:$0x1E100] =	vst v63  }
0xdb: {  	_ =	swait.ge [sflag:s19], $0x6000  }
0xdc: {  	[sflag:s19] =	ssyncset.done $0x0  }
0xdd: {  	s30 =	rddreg [dreg:$0x5];
	[sflag:s19] =	ssyncadd.s32 $0xFFFFA000  }
0xde: {  	[hbm4b:s30+s3] =	stream.linear.scatter [tilespmem:s20], [sflag:$0x7], $0x6000, $0x38;
	[tilespmem:$0x1E100] =	vst v63  }
0xdf: {  	_ =	swait.ge [sflag:s11], $0x6000  }
0xe0: {  	[sflag:s11] =	ssyncset.done $0x0  }
0xe1: {  	[sflag:s11] =	ssyncadd.s32 $0xFFFFA000  }
0xe2: {  	v3 =	vld [tilespmem:$0x60];
	_ =	sdelay $0x4  }
0xe3: {  	v54 =	vshrl.u32 v3, $0x3  }
0xe4: {  	v4 =	vmul.u32 $0x60, v54  }
0xe5: {  	v3 =	vand.u32 $0x7, v3  }
0xe6: {  	v3 =	vor.u32 v3, v4  }
0xe7: {  	v4 =	vperm.xlane v3, v0;
	_ =	sdelay $0x1  }
0xe8: {  	v4 =	vadd.s32 v1, v4;
	_ =	sdelay $0x4  }
0xe9: {  	[tilespmem:s20], [sflag:$0x2] =	stream.indirect_vreg.gather [hbm4b:s2+s3], $0x80, v4, vm0, $0xb8;
	[tilespmem:$0x1E100] =	vst v63  }
0xea: {  	s22 =	simm.s32 $0x6900  }
0xeb: {  	[tilespmem:s22], [sflag:$0x2] =	stream.indirect_vreg.gather [hbm4b:s5+s3], $0x80, v4, vm0, $0xb8;
	[tilespmem:$0x1E100] =	vst v63  }
0xec: {  	s23 =	simm.s32 $0x7100  }
0xed: {  	[tilespmem:s23], [sflag:$0x2] =	stream.indirect_vreg.gather [hbm4b:s6+s3], $0x80, v4, vm0, $0xb8;
	[tilespmem:$0x1E100] =	vst v63  }
0xee: {  	s24 =	simm.s32 $0x7900;
	v3 =	vperm.xlane v3, v2  }
0xef: {  	[tilespmem:s24], [sflag:$0x2] =	stream.indirect_vreg.gather [hbm4b:s7+s3], $0x80, v4, vm0, $0xb8;
	[tilespmem:$0x1E100] =	vst v63  }
0xf0: {  	s26 =	simm.s32 $0x8100;
	v3 =	vadd.s32 v1, v3  }
0xf1: {  	[tilespmem:s26], [sflag:$0x2] =	stream.indirect_vreg.gather [hbm4b:s8+s3], $0x80, v4, vm0, $0xb8;
	[tilespmem:$0x1E100] =	vst v63  }
0xf2: {  	s30 =	simm.s32 $0x8900  }
0xf3: {  	[tilespmem:s30], [sflag:$0x2] =	stream.indirect_vreg.gather [hbm4b:s9+s3], $0x80, v4, vm0, $0xb8;
	[tilespmem:$0x1E100] =	vst v63  }
0xf4: {  	s22 =	simm.s32 $0x9100  }
0xf5: {  	[tilespmem:s22], [sflag:$0x2] =	stream.indirect_vreg.gather [hbm4b:s2+s3], $0x80, v3, vm0, $0xb8;
	[tilespmem:$0x1E100] =	vst v63  }
0xf6: {  	s23 =	simm.s32 $0x9900  }
0xf7: {  	[tilespmem:s23], [sflag:$0x2] =	stream.indirect_vreg.gather [hbm4b:s5+s3], $0x80, v3, vm0, $0xb8;
	[tilespmem:$0x1E100] =	vst v63  }
0xf8: {  	s24 =	simm.s32 $0xA100  }
0xf9: {  	[tilespmem:s24], [sflag:$0x2] =	stream.indirect_vreg.gather [hbm4b:s6+s3], $0x80, v3, vm0, $0xb8;
	[tilespmem:$0x1E100] =	vst v63  }
0xfa: {  	s26 =	simm.s32 $0xA900  }
0xfb: {  	[tilespmem:s26], [sflag:$0x2] =	stream.indirect_vreg.gather [hbm4b:s7+s3], $0x80, v3, vm0, $0xb8;
	[tilespmem:$0x1E100] =	vst v63  }
0xfc: {  	s30 =	simm.s32 $0xB100  }
0xfd: {  	[tilespmem:s30], [sflag:$0x2] =	stream.indirect_vreg.gather [hbm4b:s8+s3], $0x80, v3, vm0, $0xb8;
	[tilespmem:$0x1E100] =	vst v63  }
0xfe: {  	s22 =	simm.s32 $0xB900  }
0xff: {  	[tilespmem:s22], [sflag:$0x2] =	stream.indirect_vreg.gather [hbm4b:s9+s3], $0x80, v3, vm0, $0xb8;
	[tilespmem:$0x1E100] =	vst v63  }
0x100: {  	_ =	swait.ge [sflag:s25], $0x6000  }
0x101: {  	[sflag:s25] =	ssyncset.done $0x0  }
0x102: {  	s23 =	rddreg [dreg:$0x6];
	[sflag:s25] =	ssyncadd.s32 $0xFFFFA000  }
0x103: {  	[hbm4b:s23+s3] =	stream.linear.scatter [tilespmem:s12], [sflag:$0x8], $0x6000, $0x38;
	[tilespmem:$0x1E100] =	vst v63  }
0x104: {  	_ =	swait.ge [sflag:s28], $0x6000  }
0x105: {  	[sflag:s28] =	ssyncset.done $0x0  }
0x106: {  	[sflag:s28] =	ssyncadd.s32 $0xFFFFA000  }
0x107: {  	v3 =	vld [tilespmem:$0x70];
	_ =	sdelay $0x4  }
0x108: {  	v55 =	vshrl.u32 v3, $0x3  }
0x109: {  	v4 =	vmul.u32 $0x60, v55  }
0x10a: {  	v3 =	vand.u32 $0x7, v3  }
0x10b: {  	v3 =	vor.u32 v3, v4  }
0x10c: {  	v4 =	vperm.xlane v3, v0;
	_ =	sdelay $0x1  }
0x10d: {  	v4 =	vadd.s32 v1, v4;
	_ =	sdelay $0x4  }
0x10e: {  	[tilespmem:s12], [sflag:$0x3] =	stream.indirect_vreg.gather [hbm4b:s2+s3], $0x80, v4, vm0, $0xb8;
	[tilespmem:$0x1E100] =	vst v63  }
0x10f: {  	s24 =	simm.s32 $0xC900  }
0x110: {  	[tilespmem:s24], [sflag:$0x3] =	stream.indirect_vreg.gather [hbm4b:s5+s3], $0x80, v4, vm0, $0xb8;
	[tilespmem:$0x1E100] =	vst v63  }
0x111: {  	s26 =	simm.s32 $0xD100  }
0x112: {  	[tilespmem:s26], [sflag:$0x3] =	stream.indirect_vreg.gather [hbm4b:s6+s3], $0x80, v4, vm0, $0xb8;
	[tilespmem:$0x1E100] =	vst v63  }
0x113: {  	s30 =	simm.s32 $0xD900;
	v3 =	vperm.xlane v3, v2  }
0x114: {  	[tilespmem:s30], [sflag:$0x3] =	stream.indirect_vreg.gather [hbm4b:s7+s3], $0x80, v4, vm0, $0xb8;
	[tilespmem:$0x1E100] =	vst v63  }
0x115: {  	s22 =	simm.s32 $0xE100;
	v3 =	vadd.s32 v1, v3  }
0x116: {  	[tilespmem:s22], [sflag:$0x3] =	stream.indirect_vreg.gather [hbm4b:s8+s3], $0x80, v4, vm0, $0xb8;
	[tilespmem:$0x1E100] =	vst v63  }
0x117: {  	s23 =	simm.s32 $0xE900  }
0x118: {  	[tilespmem:s23], [sflag:$0x3] =	stream.indirect_vreg.gather [hbm4b:s9+s3], $0x80, v4, vm0, $0xb8;
	[tilespmem:$0x1E100] =	vst v63  }
0x119: {  	s24 =	simm.s32 $0xF100  }
0x11a: {  	[tilespmem:s24], [sflag:$0x3] =	stream.indirect_vreg.gather [hbm4b:s2+s3], $0x80, v3, vm0, $0xb8;
	[tilespmem:$0x1E100] =	vst v63  }
0x11b: {  	s26 =	simm.s32 $0xF900  }
0x11c: {  	[tilespmem:s26], [sflag:$0x3] =	stream.indirect_vreg.gather [hbm4b:s5+s3], $0x80, v3, vm0, $0xb8;
	[tilespmem:$0x1E100] =	vst v63  }
0x11d: {  	s30 =	simm.s32 $0x10100  }
0x11e: {  	[tilespmem:s30], [sflag:$0x3] =	stream.indirect_vreg.gather [hbm4b:s6+s3], $0x80, v3, vm0, $0xb8;
	[tilespmem:$0x1E100] =	vst v63  }
0x11f: {  	s22 =	simm.s32 $0x10900  }
0x120: {  	[tilespmem:s22], [sflag:$0x3] =	stream.indirect_vreg.gather [hbm4b:s7+s3], $0x80, v3, vm0, $0xb8;
	[tilespmem:$0x1E100] =	vst v63  }
0x121: {  	s23 =	simm.s32 $0x11100  }
0x122: {  	[tilespmem:s23], [sflag:$0x3] =	stream.indirect_vreg.gather [hbm4b:s8+s3], $0x80, v3, vm0, $0xb8;
	[tilespmem:$0x1E100] =	vst v63  }
0x123: {  	s24 =	simm.s32 $0x11900  }
0x124: {  	[tilespmem:s24], [sflag:$0x3] =	stream.indirect_vreg.gather [hbm4b:s9+s3], $0x80, v3, vm0, $0xb8;
	[tilespmem:$0x1E100] =	vst v63  }
0x125: {  	_ =	swait.ge [sflag:s29], $0x6000  }
0x126: {  	[sflag:s29] =	ssyncset.done $0x0  }
0x127: {  	s26 =	rddreg [dreg:$0x7];
	[sflag:s29] =	ssyncadd.s32 $0xFFFFA000  }
0x128: {  	[hbm4b:s26+s3] =	stream.linear.scatter [tilespmem:s17], [sflag:$0x9], $0x6000, $0x38;
	[tilespmem:$0x1E100] =	vst v63  }
0x129: {  	_ =	swait.ge [sflag:s13], $0x6000  }
0x12a: {  	[sflag:s13] =	ssyncset.done $0x0  }
0x12b: {  	[sflag:s13] =	ssyncadd.s32 $0xFFFFA000  }
0x12c: {  	v3 =	vld [tilespmem:$0x80];
	_ =	sdelay $0x4  }
0x12d: {  	v56 =	vshrl.u32 v3, $0x3  }
0x12e: {  	v4 =	vmul.u32 $0x60, v56  }
0x12f: {  	v3 =	vand.u32 $0x7, v3  }
0x130: {  	v3 =	vor.u32 v3, v4  }
0x131: {  	v4 =	vperm.xlane v3, v0;
	_ =	sdelay $0x1  }
0x132: {  	v4 =	vadd.s32 v1, v4;
	_ =	sdelay $0x4  }
0x133: {  	[tilespmem:s17], [sflag:$0x4] =	stream.indirect_vreg.gather [hbm4b:s2+s3], $0x80, v4, vm0, $0xb8;
	[tilespmem:$0x1E100] =	vst v63  }
0x134: {  	s30 =	simm.s32 $0x12900  }
0x135: {  	[tilespmem:s30], [sflag:$0x4] =	stream.indirect_vreg.gather [hbm4b:s5+s3], $0x80, v4, vm0, $0xb8;
	[tilespmem:$0x1E100] =	vst v63  }
0x136: {  	s22 =	simm.s32 $0x13100  }
0x137: {  	[tilespmem:s22], [sflag:$0x4] =	stream.indirect_vreg.gather [hbm4b:s6+s3], $0x80, v4, vm0, $0xb8;
	[tilespmem:$0x1E100] =	vst v63  }
0x138: {  	s23 =	simm.s32 $0x13900;
	v3 =	vperm.xlane v3, v2  }
0x139: {  	[tilespmem:s23], [sflag:$0x4] =	stream.indirect_vreg.gather [hbm4b:s7+s3], $0x80, v4, vm0, $0xb8;
	[tilespmem:$0x1E100] =	vst v63  }
0x13a: {  	s24 =	simm.s32 $0x14100;
	v3 =	vadd.s32 v1, v3  }
0x13b: {  	[tilespmem:s24], [sflag:$0x4] =	stream.indirect_vreg.gather [hbm4b:s8+s3], $0x80, v4, vm0, $0xb8;
	[tilespmem:$0x1E100] =	vst v63  }
0x13c: {  	s26 =	simm.s32 $0x14900  }
0x13d: {  	[tilespmem:s26], [sflag:$0x4] =	stream.indirect_vreg.gather [hbm4b:s9+s3], $0x80, v4, vm0, $0xb8;
	[tilespmem:$0x1E100] =	vst v63  }
0x13e: {  	s30 =	simm.s32 $0x15100  }
0x13f: {  	[tilespmem:s30], [sflag:$0x4] =	stream.indirect_vreg.gather [hbm4b:s2+s3], $0x80, v3, vm0, $0xb8;
	[tilespmem:$0x1E100] =	vst v63  }
0x140: {  	s22 =	simm.s32 $0x15900  }
0x141: {  	[tilespmem:s22], [sflag:$0x4] =	stream.indirect_vreg.gather [hbm4b:s5+s3], $0x80, v3, vm0, $0xb8;
	[tilespmem:$0x1E100] =	vst v63  }
0x142: {  	s23 =	simm.s32 $0x16100  }
0x143: {  	[tilespmem:s23], [sflag:$0x4] =	stream.indirect_vreg.gather [hbm4b:s6+s3], $0x80, v3, vm0, $0xb8;
	[tilespmem:$0x1E100] =	vst v63  }
0x144: {  	s24 =	simm.s32 $0x16900  }
0x145: {  	[tilespmem:s24], [sflag:$0x4] =	stream.indirect_vreg.gather [hbm4b:s7+s3], $0x80, v3, vm0, $0xb8;
	[tilespmem:$0x1E100] =	vst v63  }
0x146: {  	s26 =	simm.s32 $0x17100  }
0x147: {  	[tilespmem:s26], [sflag:$0x4] =	stream.indirect_vreg.gather [hbm4b:s8+s3], $0x80, v3, vm0, $0xb8;
	[tilespmem:$0x1E100] =	vst v63  }
0x148: {  	s30 =	simm.s32 $0x17900  }
0x149: {  	[tilespmem:s30], [sflag:$0x4] =	stream.indirect_vreg.gather [hbm4b:s9+s3], $0x80, v3, vm0, $0xb8;
	[tilespmem:$0x1E100] =	vst v63  }
0x14a: {  	_ =	swait.ge [sflag:s14], $0x6000  }
0x14b: {  	[sflag:s14] =	ssyncset.done $0x0  }
0x14c: {  	s22 =	rddreg [dreg:$0x8];
	[sflag:s14] =	ssyncadd.s32 $0xFFFFA000  }
0x14d: {  	[hbm4b:s22+s3] =	stream.linear.scatter [tilespmem:s18], [sflag:$0xA], $0x6000, $0x38;
	[tilespmem:$0x1E100] =	vst v63  }
0x14e: {  	_ =	swait.ge [sflag:s15], $0x6000  }
0x14f: {  	[sflag:s15] =	ssyncset.done $0x0  }
0x150: {  	[sflag:s15] =	ssyncadd.s32 $0xFFFFA000  }
0x151: {  	v3 =	vld [tilespmem:$0x90];
	_ =	sdelay $0x4  }
0x152: {  	v57 =	vshrl.u32 v3, $0x3  }
0x153: {  	v4 =	vmul.u32 $0x60, v57  }
0x154: {  	v3 =	vand.u32 $0x7, v3  }
0x155: {  	v3 =	vor.u32 v3, v4  }
0x156: {  	v4 =	vperm.xlane v3, v0;
	_ =	sdelay $0x1  }
0x157: {  	v4 =	vadd.s32 v1, v4;
	_ =	sdelay $0x4  }
0x158: {  	[tilespmem:s18], [sflag:$0x5] =	stream.indirect_vreg.gather [hbm4b:s2+s3], $0x80, v4, vm0, $0xb8;
	[tilespmem:$0x1E100] =	vst v63  }
0x159: {  	s23 =	simm.s32 $0x18900  }
0x15a: {  	[tilespmem:s23], [sflag:$0x5] =	stream.indirect_vreg.gather [hbm4b:s5+s3], $0x80, v4, vm0, $0xb8;
	[tilespmem:$0x1E100] =	vst v63  }
0x15b: {  	s24 =	simm.s32 $0x19100  }
0x15c: {  	[tilespmem:s24], [sflag:$0x5] =	stream.indirect_vreg.gather [hbm4b:s6+s3], $0x80, v4, vm0, $0xb8;
	[tilespmem:$0x1E100] =	vst v63  }
0x15d: {  	s26 =	simm.s32 $0x19900;
	v3 =	vperm.xlane v3, v2  }
0x15e: {  	[tilespmem:s26], [sflag:$0x5] =	stream.indirect_vreg.gather [hbm4b:s7+s3], $0x80, v4, vm0, $0xb8;
	[tilespmem:$0x1E100] =	vst v63  }
0x15f: {  	s30 =	simm.s32 $0x1A100;
	v3 =	vadd.s32 v1, v3  }
0x160: {  	[tilespmem:s30], [sflag:$0x5] =	stream.indirect_vreg.gather [hbm4b:s8+s3], $0x80, v4, vm0, $0xb8;
	[tilespmem:$0x1E100] =	vst v63  }
0x161: {  	s22 =	simm.s32 $0x1A900  }
0x162: {  	[tilespmem:s22], [sflag:$0x5] =	stream.indirect_vreg.gather [hbm4b:s9+s3], $0x80, v4, vm0, $0xb8;
	[tilespmem:$0x1E100] =	vst v63  }
0x163: {  	s23 =	simm.s32 $0x1B100  }
0x164: {  	[tilespmem:s23], [sflag:$0x5] =	stream.indirect_vreg.gather [hbm4b:s2+s3], $0x80, v3, vm0, $0xb8;
	[tilespmem:$0x1E100] =	vst v63  }
0x165: {  	s24 =	simm.s32 $0x1B900  }
0x166: {  	[tilespmem:s24], [sflag:$0x5] =	stream.indirect_vreg.gather [hbm4b:s5+s3], $0x80, v3, vm0, $0xb8;
	[tilespmem:$0x1E100] =	vst v63  }
0x167: {  	s26 =	simm.s32 $0x1C100  }
0x168: {  	[tilespmem:s26], [sflag:$0x5] =	stream.indirect_vreg.gather [hbm4b:s6+s3], $0x80, v3, vm0, $0xb8;
	[tilespmem:$0x1E100] =	vst v63  }
0x169: {  	s30 =	simm.s32 $0x1C900  }
0x16a: {  	[tilespmem:s30], [sflag:$0x5] =	stream.indirect_vreg.gather [hbm4b:s7+s3], $0x80, v3, vm0, $0xb8;
	[tilespmem:$0x1E100] =	vst v63  }
0x16b: {  	s22 =	simm.s32 $0x1D100  }
0x16c: {  	[tilespmem:s22], [sflag:$0x5] =	stream.indirect_vreg.gather [hbm4b:s8+s3], $0x80, v3, vm0, $0xb8;
	[tilespmem:$0x1E100] =	vst v63  }
0x16d: {  	s23 =	simm.s32 $0x1D900  }
0x16e: {  	[tilespmem:s23], [sflag:$0x5] =	stream.indirect_vreg.gather [hbm4b:s9+s3], $0x80, v3, vm0, $0xb8;
	[tilespmem:$0x1E100] =	vst v63  }
0x16f: {  	_ =	swait.ge [sflag:s31], $0x6000  }
0x170: {  	[sflag:s31] =	ssyncset.done $0x0  }
0x171: {  	s24 =	rddreg [dreg:$0x9];
	[sflag:s31] =	ssyncadd.s32 $0xFFFFA000  }
0x172: {  	[hbm4b:s24+s3] =	stream.linear.scatter [tilespmem:s0], [sflag:$0x6], $0x6000, $0x38;
	[tilespmem:$0x1E100] =	vst v63  }
0x173: {  	_ =	swait.ge [sflag:s1], $0x6000  }
0x174: {  	[sflag:s1] =	ssyncset.done $0x0  }
0x175: {  	[sflag:s1] =	ssyncadd.s32 $0xFFFFA000  }
0x176: {  	v3 =	vld [tilespmem:$0xA0];
	_ =	sdelay $0x4  }
0x177: {  	v58 =	vshrl.u32 v3, $0x3  }
0x178: {  	v4 =	vmul.u32 $0x60, v58  }
0x179: {  	v3 =	vand.u32 $0x7, v3  }
0x17a: {  	v3 =	vor.u32 v3, v4  }
0x17b: {  	v4 =	vperm.xlane v3, v0;
	_ =	sdelay $0x1  }
0x17c: {  	v4 =	vadd.s32 v1, v4;
	_ =	sdelay $0x4  }
0x17d: {  	[tilespmem:s0], [sflag:$0x1] =	stream.indirect_vreg.gather [hbm4b:s2+s3], $0x80, v4, vm0, $0xb8;
	[tilespmem:$0x1E100] =	vst v63  }
0x17e: {  	s26 =	simm.s32 $0x900  }
0x17f: {  	[tilespmem:s26], [sflag:$0x1] =	stream.indirect_vreg.gather [hbm4b:s5+s3], $0x80, v4, vm0, $0xb8;
	[tilespmem:$0x1E100] =	vst v63  }
0x180: {  	_ = 	snop  }
0x181: {  	[tilespmem:s4], [sflag:$0x1] =	stream.indirect_vreg.gather [hbm4b:s6+s3], $0x80, v4, vm0, $0xb8;
	[tilespmem:$0x1E100] =	vst v63  }
0x182: {  	s30 =	simm.s32 $0x1900;
	v3 =	vperm.xlane v3, v2  }
0x183: {  	[tilespmem:s30], [sflag:$0x1] =	stream.indirect_vreg.gather [hbm4b:s7+s3], $0x80, v4, vm0, $0xb8;
	[tilespmem:$0x1E100] =	vst v63  }
0x184: {  	s21 =	simm.s32 $0x2100;
	v3 =	vadd.s32 v1, v3  }
0x185: {  	[tilespmem:s21], [sflag:$0x1] =	stream.indirect_vreg.gather [hbm4b:s8+s3], $0x80, v4, vm0, $0xb8;
	[tilespmem:$0x1E100] =	vst v63  }
0x186: {  	s23 =	simm.s32 $0x2900  }
0x187: {  	[tilespmem:s23], [sflag:$0x1] =	stream.indirect_vreg.gather [hbm4b:s9+s3], $0x80, v4, vm0, $0xb8;
	[tilespmem:$0x1E100] =	vst v63  }
0x188: {  	s24 =	simm.s32 $0x3100  }
0x189: {  	[tilespmem:s24], [sflag:$0x1] =	stream.indirect_vreg.gather [hbm4b:s2+s3], $0x80, v3, vm0, $0xb8;
	[tilespmem:$0x1E100] =	vst v63  }
0x18a: {  	s26 =	simm.s32 $0x3900  }
0x18b: {  	[tilespmem:s26], [sflag:$0x1] =	stream.indirect_vreg.gather [hbm4b:s5+s3], $0x80, v3, vm0, $0xb8;
	[tilespmem:$0x1E100] =	vst v63  }
0x18c: {  	s30 =	simm.s32 $0x4100  }
0x18d: {  	[tilespmem:s30], [sflag:$0x1] =	stream.indirect_vreg.gather [hbm4b:s6+s3], $0x80, v3, vm0, $0xb8;
	[tilespmem:$0x1E100] =	vst v63  }
0x18e: {  	s16 =	simm.s32 $0x4900  }
0x18f: {  	[tilespmem:s16], [sflag:$0x1] =	stream.indirect_vreg.gather [hbm4b:s7+s3], $0x80, v3, vm0, $0xb8;
	[tilespmem:$0x1E100] =	vst v63  }
0x190: {  	s16 =	simm.s32 $0x5100  }
0x191: {  	[tilespmem:s16], [sflag:$0x1] =	stream.indirect_vreg.gather [hbm4b:s8+s3], $0x80, v3, vm0, $0xb8;
	[tilespmem:$0x1E100] =	vst v63  }
0x192: {  	s16 =	simm.s32 $0x5900  }
0x193: {  	[tilespmem:s16], [sflag:$0x1] =	stream.indirect_vreg.gather [hbm4b:s9+s3], $0x80, v3, vm0, $0xb8;
	[tilespmem:$0x1E100] =	vst v63  }
0x194: {  	_ =	swait.ge [sflag:s19], $0x6000  }
0x195: {  	[sflag:s19] =	ssyncset.done $0x0  }
0x196: {  	s16 =	rddreg [dreg:$0xa];
	[sflag:s19] =	ssyncadd.s32 $0xFFFFA000  }
0x197: {  	[hbm4b:s16+s3] =	stream.linear.scatter [tilespmem:s20], [sflag:$0x7], $0x6000, $0x38;
	[tilespmem:$0x1E100] =	vst v63  }
0x198: {  	_ =	swait.ge [sflag:s11], $0x6000  }
0x199: {  	[sflag:s11] =	ssyncset.done $0x0  }
0x19a: {  	[sflag:s11] =	ssyncadd.s32 $0xFFFFA000  }
0x19b: {  	v3 =	vld [tilespmem:$0xB0];
	_ =	sdelay $0x4  }
0x19c: {  	v59 =	vshrl.u32 v3, $0x3  }
0x19d: {  	v4 =	vmul.u32 $0x60, v59  }
0x19e: {  	v3 =	vand.u32 $0x7, v3  }
0x19f: {  	v3 =	vor.u32 v3, v4  }
0x1a0: {  	v4 =	vperm.xlane v3, v0;
	_ =	sdelay $0x1  }
0x1a1: {  	v4 =	vadd.s32 v1, v4;
	_ =	sdelay $0x4  }
0x1a2: {  	[tilespmem:s20], [sflag:$0x2] =	stream.indirect_vreg.gather [hbm4b:s2+s3], $0x80, v4, vm0, $0xb8;
	[tilespmem:$0x1E100] =	vst v63  }
0x1a3: {  	s16 =	simm.s32 $0x6900  }
0x1a4: {  	[tilespmem:s16], [sflag:$0x2] =	stream.indirect_vreg.gather [hbm4b:s5+s3], $0x80, v4, vm0, $0xb8;
	[tilespmem:$0x1E100] =	vst v63  }
0x1a5: {  	s16 =	simm.s32 $0x7100  }
0x1a6: {  	[tilespmem:s16], [sflag:$0x2] =	stream.indirect_vreg.gather [hbm4b:s6+s3], $0x80, v4, vm0, $0xb8;
	[tilespmem:$0x1E100] =	vst v63  }
0x1a7: {  	v3 =	vperm.xlane v3, v2;
	s16 =	simm.s32 $0x7900  }
0x1a8: {  	[tilespmem:s16], [sflag:$0x2] =	stream.indirect_vreg.gather [hbm4b:s7+s3], $0x80, v4, vm0, $0xb8;
	[tilespmem:$0x1E100] =	vst v63  }
0x1a9: {  	v3 =	vadd.s32 v1, v3;
	s16 =	simm.s32 $0x8100  }
0x1aa: {  	[tilespmem:s16], [sflag:$0x2] =	stream.indirect_vreg.gather [hbm4b:s8+s3], $0x80, v4, vm0, $0xb8;
	[tilespmem:$0x1E100] =	vst v63  }
0x1ab: {  	s16 =	simm.s32 $0x8900  }
0x1ac: {  	[tilespmem:s16], [sflag:$0x2] =	stream.indirect_vreg.gather [hbm4b:s9+s3], $0x80, v4, vm0, $0xb8;
	[tilespmem:$0x1E100] =	vst v63  }
0x1ad: {  	s16 =	simm.s32 $0x9100  }
0x1ae: {  	[tilespmem:s16], [sflag:$0x2] =	stream.indirect_vreg.gather [hbm4b:s2+s3], $0x80, v3, vm0, $0xb8;
	[tilespmem:$0x1E100] =	vst v63  }
0x1af: {  	s16 =	simm.s32 $0x9900  }
0x1b0: {  	[tilespmem:s16], [sflag:$0x2] =	stream.indirect_vreg.gather [hbm4b:s5+s3], $0x80, v3, vm0, $0xb8;
	[tilespmem:$0x1E100] =	vst v63  }
0x1b1: {  	s16 =	simm.s32 $0xA100  }
0x1b2: {  	[tilespmem:s16], [sflag:$0x2] =	stream.indirect_vreg.gather [hbm4b:s6+s3], $0x80, v3, vm0, $0xb8;
	[tilespmem:$0x1E100] =	vst v63  }
0x1b3: {  	s16 =	simm.s32 $0xA900  }
0x1b4: {  	[tilespmem:s16], [sflag:$0x2] =	stream.indirect_vreg.gather [hbm4b:s7+s3], $0x80, v3, vm0, $0xb8;
	[tilespmem:$0x1E100] =	vst v63  }
0x1b5: {  	s16 =	simm.s32 $0xB100  }
0x1b6: {  	[tilespmem:s16], [sflag:$0x2] =	stream.indirect_vreg.gather [hbm4b:s8+s3], $0x80, v3, vm0, $0xb8;
	[tilespmem:$0x1E100] =	vst v63  }
0x1b7: {  	s16 =	simm.s32 $0xB900  }
0x1b8: {  	[tilespmem:s16], [sflag:$0x2] =	stream.indirect_vreg.gather [hbm4b:s9+s3], $0x80, v3, vm0, $0xb8;
	[tilespmem:$0x1E100] =	vst v63  }
0x1b9: {  	_ =	swait.ge [sflag:s25], $0x6000  }
0x1ba: {  	[sflag:s25] =	ssyncset.done $0x0  }
0x1bb: {  	s16 =	rddreg [dreg:$0xb];
	[sflag:s25] =	ssyncadd.s32 $0xFFFFA000  }
0x1bc: {  	[hbm4b:s16+s3] =	stream.linear.scatter [tilespmem:s12], [sflag:$0x8], $0x6000, $0x38;
	[tilespmem:$0x1E100] =	vst v63  }
0x1bd: {  	_ =	swait.ge [sflag:s28], $0x6000  }
0x1be: {  	[sflag:s28] =	ssyncset.done $0x0  }
0x1bf: {  	[sflag:s28] =	ssyncadd.s32 $0xFFFFA000  }
0x1c0: {  	v3 =	vld [tilespmem:$0xC0];
	_ =	sdelay $0x4  }
0x1c1: {  	v60 =	vshrl.u32 v3, $0x3  }
0x1c2: {  	v4 =	vmul.u32 $0x60, v60  }
0x1c3: {  	v3 =	vand.u32 $0x7, v3  }
0x1c4: {  	v3 =	vor.u32 v3, v4  }
0x1c5: {  	v4 =	vperm.xlane v3, v0;
	_ =	sdelay $0x1  }
0x1c6: {  	v4 =	vadd.s32 v1, v4;
	_ =	sdelay $0x4  }
0x1c7: {  	[tilespmem:s12], [sflag:$0x3] =	stream.indirect_vreg.gather [hbm4b:s2+s3], $0x80, v4, vm0, $0xb8;
	[tilespmem:$0x1E100] =	vst v63  }
0x1c8: {  	s16 =	simm.s32 $0xC900  }
0x1c9: {  	[tilespmem:s16], [sflag:$0x3] =	stream.indirect_vreg.gather [hbm4b:s5+s3], $0x80, v4, vm0, $0xb8;
	[tilespmem:$0x1E100] =	vst v63  }
0x1ca: {  	s16 =	simm.s32 $0xD100  }
0x1cb: {  	[tilespmem:s16], [sflag:$0x3] =	stream.indirect_vreg.gather [hbm4b:s6+s3], $0x80, v4, vm0, $0xb8;
	[tilespmem:$0x1E100] =	vst v63  }
0x1cc: {  	v3 =	vperm.xlane v3, v2;
	s16 =	simm.s32 $0xD900  }
0x1cd: {  	[tilespmem:s16], [sflag:$0x3] =	stream.indirect_vreg.gather [hbm4b:s7+s3], $0x80, v4, vm0, $0xb8;
	[tilespmem:$0x1E100] =	vst v63  }
0x1ce: {  	v3 =	vadd.s32 v1, v3;
	s16 =	simm.s32 $0xE100  }
0x1cf: {  	[tilespmem:s16], [sflag:$0x3] =	stream.indirect_vreg.gather [hbm4b:s8+s3], $0x80, v4, vm0, $0xb8;
	[tilespmem:$0x1E100] =	vst v63  }
0x1d0: {  	s16 =	simm.s32 $0xE900  }
0x1d1: {  	[tilespmem:s16], [sflag:$0x3] =	stream.indirect_vreg.gather [hbm4b:s9+s3], $0x80, v4, vm0, $0xb8;
	[tilespmem:$0x1E100] =	vst v63  }
0x1d2: {  	s16 =	simm.s32 $0xF100  }
0x1d3: {  	[tilespmem:s16], [sflag:$0x3] =	stream.indirect_vreg.gather [hbm4b:s2+s3], $0x80, v3, vm0, $0xb8;
	[tilespmem:$0x1E100] =	vst v63  }
0x1d4: {  	s16 =	simm.s32 $0xF900  }
0x1d5: {  	[tilespmem:s16], [sflag:$0x3] =	stream.indirect_vreg.gather [hbm4b:s5+s3], $0x80, v3, vm0, $0xb8;
	[tilespmem:$0x1E100] =	vst v63  }
0x1d6: {  	s16 =	simm.s32 $0x10100  }
0x1d7: {  	[tilespmem:s16], [sflag:$0x3] =	stream.indirect_vreg.gather [hbm4b:s6+s3], $0x80, v3, vm0, $0xb8;
	[tilespmem:$0x1E100] =	vst v63  }
0x1d8: {  	s16 =	simm.s32 $0x10900  }
0x1d9: {  	[tilespmem:s16], [sflag:$0x3] =	stream.indirect_vreg.gather [hbm4b:s7+s3], $0x80, v3, vm0, $0xb8;
	[tilespmem:$0x1E100] =	vst v63  }
0x1da: {  	s16 =	simm.s32 $0x11100  }
0x1db: {  	[tilespmem:s16], [sflag:$0x3] =	stream.indirect_vreg.gather [hbm4b:s8+s3], $0x80, v3, vm0, $0xb8;
	[tilespmem:$0x1E100] =	vst v63  }
0x1dc: {  	s16 =	simm.s32 $0x11900  }
0x1dd: {  	[tilespmem:s16], [sflag:$0x3] =	stream.indirect_vreg.gather [hbm4b:s9+s3], $0x80, v3, vm0, $0xb8;
	[tilespmem:$0x1E100] =	vst v63  }
0x1de: {  	_ =	swait.ge [sflag:s29], $0x6000  }
0x1df: {  	[sflag:s29] =	ssyncset.done $0x0  }
0x1e0: {  	s16 =	rddreg [dreg:$0xc];
	[sflag:s29] =	ssyncadd.s32 $0xFFFFA000  }
0x1e1: {  	[hbm4b:s16+s3] =	stream.linear.scatter [tilespmem:s17], [sflag:$0x9], $0x6000, $0x38;
	[tilespmem:$0x1E100] =	vst v63  }
0x1e2: {  	_ =	swait.ge [sflag:s13], $0x6000  }
0x1e3: {  	[sflag:s13] =	ssyncset.done $0x0  }
0x1e4: {  	[sflag:s13] =	ssyncadd.s32 $0xFFFFA000  }
0x1e5: {  	v3 =	vld [tilespmem:$0xD0];
	_ =	sdelay $0x4  }
0x1e6: {  	v61 =	vshrl.u32 v3, $0x3  }
0x1e7: {  	v4 =	vmul.u32 $0x60, v61  }
0x1e8: {  	v3 =	vand.u32 $0x7, v3  }
0x1e9: {  	v3 =	vor.u32 v3, v4  }
0x1ea: {  	v4 =	vperm.xlane v3, v0;
	_ =	sdelay $0x1  }
0x1eb: {  	v4 =	vadd.s32 v1, v4;
	_ =	sdelay $0x4  }
0x1ec: {  	[tilespmem:s17], [sflag:$0x4] =	stream.indirect_vreg.gather [hbm4b:s2+s3], $0x80, v4, vm0, $0xb8;
	[tilespmem:$0x1E100] =	vst v63  }
0x1ed: {  	s16 =	simm.s32 $0x12900  }
0x1ee: {  	[tilespmem:s16], [sflag:$0x4] =	stream.indirect_vreg.gather [hbm4b:s5+s3], $0x80, v4, vm0, $0xb8;
	[tilespmem:$0x1E100] =	vst v63  }
0x1ef: {  	s16 =	simm.s32 $0x13100  }
0x1f0: {  	[tilespmem:s16], [sflag:$0x4] =	stream.indirect_vreg.gather [hbm4b:s6+s3], $0x80, v4, vm0, $0xb8;
	[tilespmem:$0x1E100] =	vst v63  }
0x1f1: {  	v3 =	vperm.xlane v3, v2;
	s16 =	simm.s32 $0x13900  }
0x1f2: {  	[tilespmem:s16], [sflag:$0x4] =	stream.indirect_vreg.gather [hbm4b:s7+s3], $0x80, v4, vm0, $0xb8;
	[tilespmem:$0x1E100] =	vst v63  }
0x1f3: {  	v3 =	vadd.s32 v1, v3;
	s16 =	simm.s32 $0x14100  }
0x1f4: {  	[tilespmem:s16], [sflag:$0x4] =	stream.indirect_vreg.gather [hbm4b:s8+s3], $0x80, v4, vm0, $0xb8;
	[tilespmem:$0x1E100] =	vst v63  }
0x1f5: {  	s16 =	simm.s32 $0x14900  }
0x1f6: {  	[tilespmem:s16], [sflag:$0x4] =	stream.indirect_vreg.gather [hbm4b:s9+s3], $0x80, v4, vm0, $0xb8;
	[tilespmem:$0x1E100] =	vst v63  }
0x1f7: {  	s16 =	simm.s32 $0x15100  }
0x1f8: {  	[tilespmem:s16], [sflag:$0x4] =	stream.indirect_vreg.gather [hbm4b:s2+s3], $0x80, v3, vm0, $0xb8;
	[tilespmem:$0x1E100] =	vst v63  }
0x1f9: {  	s16 =	simm.s32 $0x15900  }
0x1fa: {  	[tilespmem:s16], [sflag:$0x4] =	stream.indirect_vreg.gather [hbm4b:s5+s3], $0x80, v3, vm0, $0xb8;
	[tilespmem:$0x1E100] =	vst v63  }
0x1fb: {  	s16 =	simm.s32 $0x16100  }
0x1fc: {  	[tilespmem:s16], [sflag:$0x4] =	stream.indirect_vreg.gather [hbm4b:s6+s3], $0x80, v3, vm0, $0xb8;
	[tilespmem:$0x1E100] =	vst v63  }
0x1fd: {  	s16 =	simm.s32 $0x16900  }
0x1fe: {  	[tilespmem:s16], [sflag:$0x4] =	stream.indirect_vreg.gather [hbm4b:s7+s3], $0x80, v3, vm0, $0xb8;
	[tilespmem:$0x1E100] =	vst v63  }
0x1ff: {  	s16 =	simm.s32 $0x17100  }
0x200: {  	[tilespmem:s16], [sflag:$0x4] =	stream.indirect_vreg.gather [hbm4b:s8+s3], $0x80, v3, vm0, $0xb8;
	[tilespmem:$0x1E100] =	vst v63  }
0x201: {  	s16 =	simm.s32 $0x17900  }
0x202: {  	[tilespmem:s16], [sflag:$0x4] =	stream.indirect_vreg.gather [hbm4b:s9+s3], $0x80, v3, vm0, $0xb8;
	[tilespmem:$0x1E100] =	vst v63  }
0x203: {  	_ =	swait.ge [sflag:s14], $0x6000  }
0x204: {  	[sflag:s14] =	ssyncset.done $0x0  }
0x205: {  	s16 =	rddreg [dreg:$0xd];
	[sflag:s14] =	ssyncadd.s32 $0xFFFFA000  }
0x206: {  	[hbm4b:s16+s3] =	stream.linear.scatter [tilespmem:s18], [sflag:$0xA], $0x6000, $0x38;
	[tilespmem:$0x1E100] =	vst v63  }
0x207: {  	_ =	swait.ge [sflag:s15], $0x6000  }
0x208: {  	[sflag:s15] =	ssyncset.done $0x0  }
0x209: {  	[sflag:s15] =	ssyncadd.s32 $0xFFFFA000  }
0x20a: {  	v3 =	vld [tilespmem:$0xE0];
	_ =	sdelay $0x4  }
0x20b: {  	v62 =	vshrl.u32 v3, $0x3  }
0x20c: {  	v4 =	vmul.u32 $0x60, v62  }
0x20d: {  	v3 =	vand.u32 $0x7, v3  }
0x20e: {  	v3 =	vor.u32 v3, v4  }
0x20f: {  	v4 =	vperm.xlane v3, v0;
	_ =	sdelay $0x1  }
0x210: {  	v4 =	vadd.s32 v1, v4;
	_ =	sdelay $0x4  }
0x211: {  	[tilespmem:s18], [sflag:$0x5] =	stream.indirect_vreg.gather [hbm4b:s2+s3], $0x80, v4, vm0, $0xb8;
	[tilespmem:$0x1E100] =	vst v63  }
0x212: {  	s16 =	simm.s32 $0x18900  }
0x213: {  	[tilespmem:s16], [sflag:$0x5] =	stream.indirect_vreg.gather [hbm4b:s5+s3], $0x80, v4, vm0, $0xb8;
	[tilespmem:$0x1E100] =	vst v63  }
0x214: {  	s16 =	simm.s32 $0x19100  }
0x215: {  	[tilespmem:s16], [sflag:$0x5] =	stream.indirect_vreg.gather [hbm4b:s6+s3], $0x80, v4, vm0, $0xb8;
	[tilespmem:$0x1E100] =	vst v63  }
0x216: {  	v3 =	vperm.xlane v3, v2;
	s16 =	simm.s32 $0x19900  }
0x217: {  	[tilespmem:s16], [sflag:$0x5] =	stream.indirect_vreg.gather [hbm4b:s7+s3], $0x80, v4, vm0, $0xb8;
	[tilespmem:$0x1E100] =	vst v63  }
0x218: {  	v3 =	vadd.s32 v1, v3;
	s16 =	simm.s32 $0x1A100  }
0x219: {  	[tilespmem:s16], [sflag:$0x5] =	stream.indirect_vreg.gather [hbm4b:s8+s3], $0x80, v4, vm0, $0xb8;
	[tilespmem:$0x1E100] =	vst v63  }
0x21a: {  	s16 =	simm.s32 $0x1A900  }
0x21b: {  	[tilespmem:s16], [sflag:$0x5] =	stream.indirect_vreg.gather [hbm4b:s9+s3], $0x80, v4, vm0, $0xb8;
	[tilespmem:$0x1E100] =	vst v63  }
0x21c: {  	s16 =	simm.s32 $0x1B100  }
0x21d: {  	[tilespmem:s16], [sflag:$0x5] =	stream.indirect_vreg.gather [hbm4b:s2+s3], $0x80, v3, vm0, $0xb8;
	[tilespmem:$0x1E100] =	vst v63  }
0x21e: {  	s16 =	simm.s32 $0x1B900  }
0x21f: {  	[tilespmem:s16], [sflag:$0x5] =	stream.indirect_vreg.gather [hbm4b:s5+s3], $0x80, v3, vm0, $0xb8;
	[tilespmem:$0x1E100] =	vst v63  }
0x220: {  	s16 =	simm.s32 $0x1C100  }
0x221: {  	[tilespmem:s16], [sflag:$0x5] =	stream.indirect_vreg.gather [hbm4b:s6+s3], $0x80, v3, vm0, $0xb8;
	[tilespmem:$0x1E100] =	vst v63  }
0x222: {  	s16 =	simm.s32 $0x1C900  }
0x223: {  	[tilespmem:s16], [sflag:$0x5] =	stream.indirect_vreg.gather [hbm4b:s7+s3], $0x80, v3, vm0, $0xb8;
	[tilespmem:$0x1E100] =	vst v63  }
0x224: {  	s16 =	simm.s32 $0x1D100  }
0x225: {  	[tilespmem:s16], [sflag:$0x5] =	stream.indirect_vreg.gather [hbm4b:s8+s3], $0x80, v3, vm0, $0xb8;
	[tilespmem:$0x1E100] =	vst v63  }
0x226: {  	s16 =	simm.s32 $0x1D900  }
0x227: {  	[tilespmem:s16], [sflag:$0x5] =	stream.indirect_vreg.gather [hbm4b:s9+s3], $0x80, v3, vm0, $0xb8;
	[tilespmem:$0x1E100] =	vst v63  }
0x228: {  	_ =	swait.ge [sflag:s31], $0x6000  }
0x229: {  	[sflag:s31] =	ssyncset.done $0x0  }
0x22a: {  	s16 =	rddreg [dreg:$0xe];
	[sflag:s31] =	ssyncadd.s32 $0xFFFFA000  }
0x22b: {  	[hbm4b:s16+s3] =	stream.linear.scatter [tilespmem:s0], [sflag:$0x6], $0x6000, $0x38;
	[tilespmem:$0x1E100] =	vst v63  }
0x22c: {  	_ =	swait.ge [sflag:s1], $0x6000  }
0x22d: {  	[sflag:s1] =	ssyncset.done $0x0  }
0x22e: {  	[sflag:s1] =	ssyncadd.s32 $0xFFFFA000  }
0x22f: {  	v3 =	vld [tilespmem:$0xF0];
	_ =	sdelay $0x4  }
0x230: {  	v63 =	vshrl.u32 v3, $0x3  }
0x231: {  	v4 =	vmul.u32 $0x60, v63  }
0x232: {  	v3 =	vand.u32 $0x7, v3  }
0x233: {  	v3 =	vor.u32 v3, v4  }
0x234: {  	v4 =	vperm.xlane v3, v0;
	_ =	sdelay $0x1  }
0x235: {  	v4 =	vadd.s32 v1, v4;
	_ =	sdelay $0x4  }
0x236: {  	[tilespmem:s0], [sflag:$0x1] =	stream.indirect_vreg.gather [hbm4b:s2+s3], $0x80, v4, vm0, $0xb8;
	[tilespmem:$0x1E100] =	vst v63  }
0x237: {  	s22 =	simm.s32 $0x900  }
0x238: {  	[tilespmem:s22], [sflag:$0x1] =	stream.indirect_vreg.gather [hbm4b:s5+s3], $0x80, v4, vm0, $0xb8;
	[tilespmem:$0x1E100] =	vst v63  }
0x239: {  	s4 =	simm.s32 $0x1100  }
0x23a: {  	[tilespmem:s4], [sflag:$0x1] =	stream.indirect_vreg.gather [hbm4b:s6+s3], $0x80, v4, vm0, $0xb8;
	[tilespmem:$0x1E100] =	vst v63  }
0x23b: {  	v3 =	vperm.xlane v3, v2;
	s22 =	simm.s32 $0x1900  }
0x23c: {  	[tilespmem:s22], [sflag:$0x1] =	stream.indirect_vreg.gather [hbm4b:s7+s3], $0x80, v4, vm0, $0xb8;
	[tilespmem:$0x1E100] =	vst v63  }
0x23d: {  	s21 =	simm.s32 $0x2100;
	v3 =	vadd.s32 v1, v3  }
0x23e: {  	[tilespmem:s21], [sflag:$0x1] =	stream.indirect_vreg.gather [hbm4b:s8+s3], $0x80, v4, vm0, $0xb8;
	[tilespmem:$0x1E100] =	vst v63  }
0x23f: {  	s23 =	simm.s32 $0x2900  }
0x240: {  	[tilespmem:s23], [sflag:$0x1] =	stream.indirect_vreg.gather [hbm4b:s9+s3], $0x80, v4, vm0, $0xb8;
	[tilespmem:$0x1E100] =	vst v63  }
0x241: {  	s24 =	simm.s32 $0x3100  }
0x242: {  	[tilespmem:s24], [sflag:$0x1] =	stream.indirect_vreg.gather [hbm4b:s2+s3], $0x80, v3, vm0, $0xb8;
	[tilespmem:$0x1E100] =	vst v63  }
0x243: {  	s26 =	simm.s32 $0x3900  }
0x244: {  	[tilespmem:s26], [sflag:$0x1] =	stream.indirect_vreg.gather [hbm4b:s5+s3], $0x80, v3, vm0, $0xb8;
	[tilespmem:$0x1E100] =	vst v63  }
0x245: {  	s30 =	simm.s32 $0x4100  }
0x246: {  	[tilespmem:s30], [sflag:$0x1] =	stream.indirect_vreg.gather [hbm4b:s6+s3], $0x80, v3, vm0, $0xb8;
	[tilespmem:$0x1E100] =	vst v63  }
0x247: {  	s30 =	simm.s32 $0x4900  }
0x248: {  	[tilespmem:s30], [sflag:$0x1] =	stream.indirect_vreg.gather [hbm4b:s7+s3], $0x80, v3, vm0, $0xb8;
	[tilespmem:$0x1E100] =	vst v63  }
0x249: {  	s16 =	simm.s32 $0x5100  }
0x24a: {  	[tilespmem:s16], [sflag:$0x1] =	stream.indirect_vreg.gather [hbm4b:s8+s3], $0x80, v3, vm0, $0xb8;
	[tilespmem:$0x1E100] =	vst v63  }
0x24b: {  	s21 =	simm.s32 $0x5900  }
0x24c: {  	[tilespmem:s21], [sflag:$0x1] =	stream.indirect_vreg.gather [hbm4b:s9+s3], $0x80, v3, vm0, $0xb8;
	[tilespmem:$0x1E100] =	vst v63  }
0x24d: {  	_ =	swait.ge [sflag:s19], $0x6000  }
0x24e: {  	[sflag:s19] =	ssyncset.done $0x0  }
0x24f: {  	s22 =	rddreg [dreg:$0xf];
	[sflag:s19] =	ssyncadd.s32 $0xFFFFA000  }
0x250: {  	[hbm4b:s22+s3] =	stream.linear.scatter [tilespmem:s20], [sflag:$0x7], $0x6000, $0x38;
	[tilespmem:$0x1E100] =	vst v63  }
0x251: {  	_ =	swait.ge [sflag:s25], $0x6000  }
0x252: {  	[sflag:s25] =	ssyncset.done $0x0  }
0x253: {  	s23 =	rddreg [dreg:$0x10];
	[sflag:s25] =	ssyncadd.s32 $0xFFFFA000  }
0x254: {  	[hbm4b:s23+s3] =	stream.linear.scatter [tilespmem:s12], [sflag:$0x8], $0x6000, $0x38;
	[tilespmem:$0x1E100] =	vst v63  }
0x255: {  	_ =	swait.ge [sflag:s29], $0x6000  }
0x256: {  	[sflag:s29] =	ssyncset.done $0x0  }
0x257: {  	s24 =	rddreg [dreg:$0x11];
	[sflag:s29] =	ssyncadd.s32 $0xFFFFA000  }
0x258: {  	[hbm4b:s24+s3] =	stream.linear.scatter [tilespmem:s17], [sflag:$0x9], $0x6000, $0x38;
	[tilespmem:$0x1E100] =	vst v63  }
0x259: {  	_ =	swait.ge [sflag:s14], $0x6000  }
0x25a: {  	[sflag:s14] =	ssyncset.done $0x0  }
0x25b: {  	s26 =	rddreg [dreg:$0x12];
	[sflag:s14] =	ssyncadd.s32 $0xFFFFA000  }
0x25c: {  	[hbm4b:s26+s3] =	stream.linear.scatter [tilespmem:s18], [sflag:$0xA], $0x6000, $0x38;
	[tilespmem:$0x1E100] =	vst v63  }
0x25d: {  	_ =	swait.ge [sflag:s31], $0x6000  }
0x25e: {  	[sflag:s31] =	ssyncset.done $0x0  }
0x25f: {  	s30 =	rddreg [dreg:$0x13];
	[sflag:s31] =	ssyncadd.s32 $0xFFFFA000  }
0x260: {  	[hbm4b:s30+s3] =	stream.linear.scatter [tilespmem:s0], [sflag:$0x6], $0x6000, $0x38;
	[tilespmem:$0x1E100] =	vst v63  }
0x261: {  	_ =	swait.ge [sflag:s11], $0x6000  }
0x262: {  	[sflag:s11] =	ssyncset.done $0x0  }
0x263: {  	[sflag:s11] =	ssyncadd.s32 $0xFFFFA000  }
0x264: {  	_ =	swait.ge [sflag:s28], $0x6000  }
0x265: {  	[sflag:s28] =	ssyncset.done $0x0  }
0x266: {  	[sflag:s28] =	ssyncadd.s32 $0xFFFFA000  }
0x267: {  	_ =	swait.ge [sflag:s13], $0x6000  }
0x268: {  	[sflag:s13] =	ssyncset.done $0x0  }
0x269: {  	[sflag:s13] =	ssyncadd.s32 $0xFFFFA000  }
0x26a: {  	p0 =	sne.s32 s10, $0x1;
	_ =	swait.ge [sflag:s15], $0x6000  }
.Ltmp0:
0x26b: {  	[sflag:s15] =	ssyncset.done $0x0;
	(pc) =	sbr.rel @p0 .LBB2_1-.Ltmp0, $4  }
0x26c: {  	[sflag:s15] =	ssyncadd.s32 $0xFFFFA000  }
0x26d: {  	_ =	swait.ge [sflag:s1], $0x6000  }
0x26e: {  	[sflag:s1] =	ssyncset.done $0x0  }
0x26f: {  	s10 =	sadd.s32 $0xFFFFFFFF, s10;
	[sflag:s1] =	ssyncadd.s32 $0xFFFFA000  }
0x270: {  	_ =	sfence.sel $0x180000  }
0x271: {  	[bflag:$0x0] =	sbarrier.arrive $0xFFFF  }
0x272: {  	_ =	strace $0x90000047  }
0x273: {  	s0 =	stileid.u32;
	[bflag:$0x2] =	sbarrier.arrive $0xFFFF  }
0x274: {  	p0 =	sne.s32 s0, $0x0;
	s0 =	rddreg [dreg:$0x3]  }
0x275: {  	s0 =	sadd.s32 @!p0 $0x100000, s0  }
0x276: {  	[sflag:s0] =	ssyncadd.tile.s32 @!p0 $0x1;
	_ =	shalt  }
.Lfunc_end2:
_tile_overlayer_lowered:
.L_overlay_start_2:
0x277: {  	(tag) =	ssettag $0x2  }
0x278: {  	s0 =	rddreg [dreg:$0x0];
	s2 =	stileid.u32  }
0x279: {  	s1 =	rddreg [dreg:$0x1];
	p0 =	sne.s32 s2, $0x0  }
0x27a: {  	s3 =	rddreg [dreg:$0x2];
	[bflag:$0x3] =	sbarrier.arrive $0xFFFF;
	s2 =	simm.s32 @!p0 $0x1C0B  }
0x27b: {  	[timem:s3], [sflag:s2] =	dma.local @!p0 [hbm:s0], s1  }
0x27c: {  	s0 =	simm.s32 @!p0 $0xB  }
0x27d: {  	_ =	swait.ge @!p0 [sflag:s0], s1  }
0x27e: {  	s1 =	ssub.s32 @!p0 $0x0, s1;
	[sflag:s0] =	ssyncset.done @!p0 $0x0  }
0x27f: {  	[sflag:s0] =	ssyncadd.s32 @!p0 s1  }
0x280: {  	[bflag:$0x3] =	sbarrier.arrive $0xFFFF  }
0x281: {  	_ =	shalt  }

</sc_bundles>
